<compile_context>
chip_gen: v7x
topology: tpu7x:2x2x1
jax: 0.10.2.dev20260603
libtpu: 0.0.44.dev20260713+nightly
codegen_flags: <defaults>
</compile_context>

<pallas_src>
import functools

import jax
import jax.numpy as jnp
from jax import lax
from jax.experimental import pallas as pl
from jax.experimental.pallas import tpu as pltpu
from jax.experimental.pallas import tpu_sc as plsc

_DEFAULT_INCREASE = 2048
_N, _D = 131072, 256
_NC, _NS = 2, 16
_NW = _NC * _NS
_ROWS_PER_W = _N // _NW
_CHUNK = 248
_NBUF = 2

_CHUNK_OFFS = list(range(0, _ROWS_PER_W - _CHUNK + 1, _CHUNK))
_CHUNK_SIZES = [_CHUNK] * len(_CHUNK_OFFS)
_TAIL = _ROWS_PER_W - len(_CHUNK_OFFS) * _CHUNK
if _TAIL:
    _CHUNK_OFFS.append(len(_CHUNK_OFFS) * _CHUNK)
    _CHUNK_SIZES.append(_TAIL)
_NCHUNKS = len(_CHUNK_OFFS)

_mesh = plsc.VectorSubcoreMesh(core_axis_name="c", subcore_axis_name="s")


@functools.partial(
    pl.kernel,
    mesh=_mesh,
    out_type=jax.ShapeDtypeStruct((_N, _D), jnp.float32),
    scratch_types=(
        [pltpu.VMEM((_NBUF, _CHUNK, _D), jnp.float32)]
        + [pltpu.SemaphoreType.DMA] * (2 * _NBUF)
    ),
)
def _sc_copy(x_hbm, out_hbm, buf, *sems):
    in_sems, out_sems = sems[:_NBUF], sems[_NBUF:]
    wid = lax.axis_index("s") * _NC + lax.axis_index("c")
    base = wid * _ROWS_PER_W

    def start_in(chunk):
        slot = chunk % _NBUF
        sz = _CHUNK_SIZES[chunk]
        c = pltpu.make_async_copy(
            x_hbm.at[pl.ds(base + _CHUNK_OFFS[chunk], sz)],
            buf.at[slot, pl.ds(0, sz)],
            in_sems[slot],
        )
        c.start()
        return c

    def start_out(chunk):
        slot = chunk % _NBUF
        sz = _CHUNK_SIZES[chunk]
        c = pltpu.make_async_copy(
            buf.at[slot, pl.ds(0, sz)],
            out_hbm.at[pl.ds(base + _CHUNK_OFFS[chunk], sz)],
            out_sems[slot],
        )
        c.start()
        return c

    ins = [None] * _NBUF
    for c in range(min(_NBUF, _NCHUNKS)):
        ins[c % _NBUF] = start_in(c)
    outs = [None] * _NCHUNKS
    for chunk in range(_NCHUNKS):
        ins[chunk % _NBUF].wait()
        outs[chunk] = start_out(chunk)
        nxt = chunk + _NBUF
        if nxt < _NCHUNKS:
            outs[chunk].wait()
            ins[nxt % _NBUF] = start_in(nxt)
    for chunk in range(max(0, _NCHUNKS - _NBUF), _NCHUNKS):
        outs[chunk].wait()


def kernel(x):
    n, d = x.shape
    padded = -(-n // _DEFAULT_INCREASE) * _DEFAULT_INCREASE
    assert (padded, d) == (_N, _D), "fixed problem shape"
    return _sc_copy(x)

# --- scband reference (transcript-rebuilt; emitter-appended) ---
"""Pipeline reference for scband-concat-tensor-21809843929921 (READ-ONLY COPY).

The authoritative reference and input builder live on the scoring server;
editing this copy changes nothing except your own understanding.
"""

import jax, jax.numpy as jnp
import numpy as np
import math

_DEFAULT_INCREASE = 2048
_DIM = 0

def setup_inputs(seed: int = 0) -> dict:
    key = jax.random.key(seed)
    x = jax.random.normal(key, (131072, 256), dtype=jnp.float32)
    return {"x": x}

def reference(x):
    # Faithful translation of ConcatTensor.forward on the first call (fresh buffer,
    # self._length < 0): allocate a buffer whose dim-0 size is x.shape[0] rounded up
    # to a multiple of _DEFAULT_INCREASE, then scatter-overwrite x into rows 0..N-1.
    n = x.shape[_DIM]
    padded = int(math.ceil(n / float(_DEFAULT_INCREASE)) * _DEFAULT_INCREASE)
    shape = list(x.shape)
    shape[_DIM] = padded
    # torch.empty is uninitialized; use zeros for determinism. The scatter
    # (overwrite) semantics are identical: buffer.scatter_(dim, idx, x) with
    # idx = arange(N) expanded over trailing dims == row-wise .at[idx].set(x).
    buf = jnp.zeros(tuple(shape), dtype=x.dtype)
    idx = jnp.arange(n)
    buf = buf.at[idx].set(x)
    return buf

if __name__ == "__main__":
    import jax
    _d = setup_inputs()
    print(jax.jit(kernel)(*tuple(_d.values())))

</pallas_src>

<mosaic_0001>
#map = affine_map<(d0, d1) -> (0, 0)>
module attributes {stable_mosaic.version = 14 : i64} {
  func.func @_sc_copy(%arg0: i32, %arg1: i32, %arg2: memref<131072x256xf32, #tpu.memory_space<hbm>>, %arg3: memref<131072x256xf32, #tpu.memory_space<hbm>>, %arg4: memref<2x248x256xf32, #tpu.memory_space<vmem>>, %arg5: memref<!tpu.dma_semaphore, #tpu.memory_space<semaphore_mem>>, %arg6: memref<!tpu.dma_semaphore, #tpu.memory_space<semaphore_mem>>, %arg7: memref<!tpu.dma_semaphore, #tpu.memory_space<semaphore_mem>>, %arg8: memref<!tpu.dma_semaphore, #tpu.memory_space<semaphore_mem>>) attributes {dimension_semantics = [#tpu.dimension_semantics<core_parallel>, #tpu.dimension_semantics<subcore_parallel>], iteration_bounds = array<i64: 2, 16>, scalar_prefetch = 0 : i64, scratch_operands = 5 : i64, tpu.core_type = #tpu.core_type<sc_vector_subcore>, window_params = [{transform_indices = #map}, {transform_indices = #map}]} {
    %mul3A = arith.constant 2 : i32
    %mul3A_0 = arith.muli %arg1, %mul3A : i32
    %add3A = arith.addi %mul3A_0, %arg0 : i32
    %mul3A_1 = arith.constant 4096 : i32
    %mul3A_2 = arith.muli %add3A, %mul3A_1 : i32
    %add3A_3 = arith.constant 0 : i32
    %add3A_4 = arith.addi %mul3A_2, %add3A_3 : i32
    %dma_start3A = arith.constant 0 : i32
    %dma_start3A_5 = arith.constant 0 : i32
    %dma_start3A_6 = arith.constant 0 : i32
    %dma_start3A_7 = tpu.memref_slice %arg4[%dma_start3A, %dma_start3A_5, %dma_start3A_6] : memref<2x248x256xf32, #tpu.memory_space<vmem>> -> memref<1x248x256xf32, #tpu.memory_space<vmem>>
    %dma_start3A_8 = tpu.memref_squeeze %dma_start3A_7 : memref<1x248x256xf32, #tpu.memory_space<vmem>> -> memref<248x256xf32, #tpu.memory_space<vmem>>
    %dma_start3A_9 = arith.constant 0 : i32
    %dma_start3A_10 = tpu.memref_slice %arg2[%add3A_4, %dma_start3A_9] : memref<131072x256xf32, #tpu.memory_space<hbm>> -> memref<248x256xf32, #tpu.memory_space<hbm>>
    %dma_start3A_11 = arith.constant 0 : i32
    %dma_start3A_12 = arith.constant 0 : i32
    %dma_start3A_13 = tpu.memref_slice %arg4[%dma_start3A, %dma_start3A_11, %dma_start3A_12] : memref<2x248x256xf32, #tpu.memory_space<vmem>> -> memref<1x248x256xf32, #tpu.memory_space<vmem>>
    %dma_start3A_14 = tpu.memref_squeeze %dma_start3A_13 : memref<1x248x256xf32, #tpu.memory_space<vmem>> -> memref<248x256xf32, #tpu.memory_space<vmem>>
    %dma_start3A_15 = arith.constant 0 : i32
    %dma_start3A_16 = tpu.memref_slice %arg2[%add3A_4, %dma_start3A_15] : memref<131072x256xf32, #tpu.memory_space<hbm>> -> memref<248x256xf32, #tpu.memory_space<hbm>>
    tpu.enqueue_dma source(%dma_start3A_16 : memref<248x256xf32, #tpu.memory_space<hbm>>) target(%dma_start3A_14 : memref<248x256xf32, #tpu.memory_space<vmem>>) target_semaphore(%arg5 : memref<!tpu.dma_semaphore, #tpu.memory_space<semaphore_mem>>)
    %add3A_17 = arith.constant 248 : i32
    %add3A_18 = arith.addi %mul3A_2, %add3A_17 : i32
    %dma_start3A_19 = arith.constant 1 : i32
    %dma_start3A_20 = arith.constant 0 : i32
    %dma_start3A_21 = arith.constant 0 : i32
    %dma_start3A_22 = tpu.memref_slice %arg4[%dma_start3A_19, %dma_start3A_20, %dma_start3A_21] : memref<2x248x256xf32, #tpu.memory_space<vmem>> -> memref<1x248x256xf32, #tpu.memory_space<vmem>>
    %dma_start3A_23 = tpu.memref_squeeze %dma_start3A_22 : memref<1x248x256xf32, #tpu.memory_space<vmem>> -> memref<248x256xf32, #tpu.memory_space<vmem>>
    %dma_start3A_24 = arith.constant 0 : i32
    %dma_start3A_25 = tpu.memref_slice %arg2[%add3A_18, %dma_start3A_24] : memref<131072x256xf32, #tpu.memory_space<hbm>> -> memref<248x256xf32, #tpu.memory_space<hbm>>
    %dma_start3A_26 = arith.constant 0 : i32
    %dma_start3A_27 = arith.constant 0 : i32
    %dma_start3A_28 = tpu.memref_slice %arg4[%dma_start3A_19, %dma_start3A_26, %dma_start3A_27] : memref<2x248x256xf32, #tpu.memory_space<vmem>> -> memref<1x248x256xf32, #tpu.memory_space<vmem>>
    %dma_start3A_29 = tpu.memref_squeeze %dma_start3A_28 : memref<1x248x256xf32, #tpu.memory_space<vmem>> -> memref<248x256xf32, #tpu.memory_space<vmem>>
    %dma_start3A_30 = arith.constant 0 : i32
    %dma_start3A_31 = tpu.memref_slice %arg2[%add3A_18, %dma_start3A_30] : memref<131072x256xf32, #tpu.memory_space<hbm>> -> memref<248x256xf32, #tpu.memory_space<hbm>>
    tpu.enqueue_dma source(%dma_start3A_31 : memref<248x256xf32, #tpu.memory_space<hbm>>) target(%dma_start3A_29 : memref<248x256xf32, #tpu.memory_space<vmem>>) target_semaphore(%arg6 : memref<!tpu.dma_semaphore, #tpu.memory_space<semaphore_mem>>)
    %dma_wait3A = arith.constant 0 : i32
    %dma_wait3A_32 = arith.constant 0 : i32
    %dma_wait3A_33 = arith.constant 0 : i32
    %dma_wait3A_34 = tpu.memref_slice %arg4[%dma_wait3A, %dma_wait3A_32, %dma_wait3A_33] : memref<2x248x256xf32, #tpu.memory_space<vmem>> -> memref<1x248x256xf32, #tpu.memory_space<vmem>>
    %dma_wait3A_35 = tpu.memref_squeeze %dma_wait3A_34 : memref<1x248x256xf32, #tpu.memory_space<vmem>> -> memref<248x256xf32, #tpu.memory_space<vmem>>
    %dma_wait3A_36 = arith.constant 0 : i32
    %dma_wait3A_37 = tpu.memref_slice %arg2[%add3A_4, %dma_wait3A_36] : memref<131072x256xf32, #tpu.memory_space<hbm>> -> memref<248x256xf32, #tpu.memory_space<hbm>>
    %dma_wait3A_38 = arith.constant 0 : i32
    %dma_wait3A_39 = arith.constant 0 : i32
    %dma_wait3A_40 = tpu.memref_slice %arg4[%dma_wait3A, %dma_wait3A_38, %dma_wait3A_39] : memref<2x248x256xf32, #tpu.memory_space<vmem>> -> memref<1x248x256xf32, #tpu.memory_space<vmem>>
    %dma_wait3A_41 = tpu.memref_squeeze %dma_wait3A_40 : memref<1x248x256xf32, #tpu.memory_space<vmem>> -> memref<248x256xf32, #tpu.memory_space<vmem>>
    %dma_wait3A_42 = arith.constant 0 : i32
    %dma_wait3A_43 = tpu.memref_slice %arg2[%add3A_4, %dma_wait3A_42] : memref<131072x256xf32, #tpu.memory_space<hbm>> -> memref<248x256xf32, #tpu.memory_space<hbm>>
    tpu.wait_dma2 semaphore(%arg5 : memref<!tpu.dma_semaphore, #tpu.memory_space<semaphore_mem>>) src(%dma_wait3A_43 : memref<248x256xf32, #tpu.memory_space<hbm>>) dst(%dma_wait3A_41 : memref<248x256xf32, #tpu.memory_space<vmem>>)
    %add3A_44 = arith.constant 0 : i32
    %add3A_45 = arith.addi %mul3A_2, %add3A_44 : i32
    %dma_start3A_46 = arith.constant 0 : i32
    %dma_start3A_47 = arith.constant 0 : i32
    %dma_start3A_48 = arith.constant 0 : i32
    %dma_start3A_49 = tpu.memref_slice %arg4[%dma_start3A_46, %dma_start3A_47, %dma_start3A_48] : memref<2x248x256xf32, #tpu.memory_space<vmem>> -> memref<1x248x256xf32, #tpu.memory_space<vmem>>
    %dma_start3A_50 = tpu.memref_squeeze %dma_start3A_49 : memref<1x248x256xf32, #tpu.memory_space<vmem>> -> memref<248x256xf32, #tpu.memory_space<vmem>>
    %dma_start3A_51 = arith.constant 0 : i32
    %dma_start3A_52 = tpu.memref_slice %arg3[%add3A_45, %dma_start3A_51] : memref<131072x256xf32, #tpu.memory_space<hbm>> -> memref<248x256xf32, #tpu.memory_space<hbm>>
    %dma_start3A_53 = arith.constant 0 : i32
    %dma_start3A_54 = tpu.memref_slice %arg3[%add3A_45, %dma_start3A_53] : memref<131072x256xf32, #tpu.memory_space<hbm>> -> memref<248x256xf32, #tpu.memory_space<hbm>>
    %dma_start3A_55 = arith.constant 0 : i32
    %dma_start3A_56 = arith.constant 0 : i32
    %dma_start3A_57 = tpu.memref_slice %arg4[%dma_start3A_46, %dma_start3A_55, %dma_start3A_56] : memref<2x248x256xf32, #tpu.memory_space<vmem>> -> memref<1x248x256xf32, #tpu.memory_space<vmem>>
    %dma_start3A_58 = tpu.memref_squeeze %dma_start3A_57 : memref<1x248x256xf32, #tpu.memory_space<vmem>> -> memref<248x256xf32, #tpu.memory_space<vmem>>
    tpu.enqueue_dma source(%dma_start3A_58 : memref<248x256xf32, #tpu.memory_space<vmem>>) target(%dma_start3A_54 : memref<248x256xf32, #tpu.memory_space<hbm>>) target_semaphore(%arg7 : memref<!tpu.dma_semaphore, #tpu.memory_space<semaphore_mem>>)
    %dma_wait3A_59 = arith.constant 0 : i32
    %dma_wait3A_60 = arith.constant 0 : i32
    %dma_wait3A_61 = arith.constant 0 : i32
    %dma_wait3A_62 = tpu.memref_slice %arg4[%dma_wait3A_59, %dma_wait3A_60, %dma_wait3A_61] : memref<2x248x256xf32, #tpu.memory_space<vmem>> -> memref<1x248x256xf32, #tpu.memory_space<vmem>>
    %dma_wait3A_63 = tpu.memref_squeeze %dma_wait3A_62 : memref<1x248x256xf32, #tpu.memory_space<vmem>> -> memref<248x256xf32, #tpu.memory_space<vmem>>
    %dma_wait3A_64 = arith.constant 0 : i32
    %dma_wait3A_65 = tpu.memref_slice %arg3[%add3A_45, %dma_wait3A_64] : memref<131072x256xf32, #tpu.memory_space<hbm>> -> memref<248x256xf32, #tpu.memory_space<hbm>>
    %dma_wait3A_66 = arith.constant 0 : i32
    %dma_wait3A_67 = tpu.memref_slice %arg3[%add3A_45, %dma_wait3A_66] : memref<131072x256xf32, #tpu.memory_space<hbm>> -> memref<248x256xf32, #tpu.memory_space<hbm>>
    %dma_wait3A_68 = arith.constant 0 : i32
    %dma_wait3A_69 = arith.constant 0 : i32
    %dma_wait3A_70 = tpu.memref_slice %arg4[%dma_wait3A_59, %dma_wait3A_68, %dma_wait3A_69] : memref<2x248x256xf32, #tpu.memory_space<vmem>> -> memref<1x248x256xf32, #tpu.memory_space<vmem>>
    %dma_wait3A_71 = tpu.memref_squeeze %dma_wait3A_70 : memref<1x248x256xf32, #tpu.memory_space<vmem>> -> memref<248x256xf32, #tpu.memory_space<vmem>>
    tpu.wait_dma2 semaphore(%arg7 : memref<!tpu.dma_semaphore, #tpu.memory_space<semaphore_mem>>) src(%dma_wait3A_71 : memref<248x256xf32, #tpu.memory_space<vmem>>) dst(%dma_wait3A_67 : memref<248x256xf32, #tpu.memory_space<hbm>>)
    %add3A_72 = arith.constant 496 : i32
    %add3A_73 = arith.addi %mul3A_2, %add3A_72 : i32
    %dma_start3A_74 = arith.constant 0 : i32
    %dma_start3A_75 = arith.constant 0 : i32
    %dma_start3A_76 = arith.constant 0 : i32
    %dma_start3A_77 = tpu.memref_slice %arg4[%dma_start3A_74, %dma_start3A_75, %dma_start3A_76] : memref<2x248x256xf32, #tpu.memory_space<vmem>> -> memref<1x248x256xf32, #tpu.memory_space<vmem>>
    %dma_start3A_78 = tpu.memref_squeeze %dma_start3A_77 : memref<1x248x256xf32, #tpu.memory_space<vmem>> -> memref<248x256xf32, #tpu.memory_space<vmem>>
    %dma_start3A_79 = arith.constant 0 : i32
    %dma_start3A_80 = tpu.memref_slice %arg2[%add3A_73, %dma_start3A_79] : memref<131072x256xf32, #tpu.memory_space<hbm>> -> memref<248x256xf32, #tpu.memory_space<hbm>>
    %dma_start3A_81 = arith.constant 0 : i32
    %dma_start3A_82 = arith.constant 0 : i32
    %dma_start3A_83 = tpu.memref_slice %arg4[%dma_start3A_74, %dma_start3A_81, %dma_start3A_82] : memref<2x248x256xf32, #tpu.memory_space<vmem>> -> memref<1x248x256xf32, #tpu.memory_space<vmem>>
    %dma_start3A_84 = tpu.memref_squeeze %dma_start3A_83 : memref<1x248x256xf32, #tpu.memory_space<vmem>> -> memref<248x256xf32, #tpu.memory_space<vmem>>
    %dma_start3A_85 = arith.constant 0 : i32
    %dma_start3A_86 = tpu.memref_slice %arg2[%add3A_73, %dma_start3A_85] : memref<131072x256xf32, #tpu.memory_space<hbm>> -> memref<248x256xf32, #tpu.memory_space<hbm>>
    tpu.enqueue_dma source(%dma_start3A_86 : memref<248x256xf32, #tpu.memory_space<hbm>>) target(%dma_start3A_84 : memref<248x256xf32, #tpu.memory_space<vmem>>) target_semaphore(%arg5 : memref<!tpu.dma_semaphore, #tpu.memory_space<semaphore_mem>>)
    %dma_wait3A_87 = arith.constant 1 : i32
    %dma_wait3A_88 = arith.constant 0 : i32
    %dma_wait3A_89 = arith.constant 0 : i32
    %dma_wait3A_90 = tpu.memref_slice %arg4[%dma_wait3A_87, %dma_wait3A_88, %dma_wait3A_89] : memref<2x248x256xf32, #tpu.memory_space<vmem>> -> memref<1x248x256xf32, #tpu.memory_space<vmem>>
    %dma_wait3A_91 = tpu.memref_squeeze %dma_wait3A_90 : memref<1x248x256xf32, #tpu.memory_space<vmem>> -> memref<248x256xf32, #tpu.memory_space<vmem>>
    %dma_wait3A_92 = arith.constant 0 : i32
    %dma_wait3A_93 = tpu.memref_slice %arg2[%add3A_18, %dma_wait3A_92] : memref<131072x256xf32, #tpu.memory_space<hbm>> -> memref<248x256xf32, #tpu.memory_space<hbm>>
    %dma_wait3A_94 = arith.constant 0 : i32
    %dma_wait3A_95 = arith.constant 0 : i32
    %dma_wait3A_96 = tpu.memref_slice %arg4[%dma_wait3A_87, %dma_wait3A_94, %dma_wait3A_95] : memref<2x248x256xf32, #tpu.memory_space<vmem>> -> memref<1x248x256xf32, #tpu.memory_space<vmem>>
    %dma_wait3A_97 = tpu.memref_squeeze %dma_wait3A_96 : memref<1x248x256xf32, #tpu.memory_space<vmem>> -> memref<248x256xf32, #tpu.memory_space<vmem>>
    %dma_wait3A_98 = arith.constant 0 : i32
    %dma_wait3A_99 = tpu.memref_slice %arg2[%add3A_18, %dma_wait3A_98] : memref<131072x256xf32, #tpu.memory_space<hbm>> -> memref<248x256xf32, #tpu.memory_space<hbm>>
    tpu.wait_dma2 semaphore(%arg6 : memref<!tpu.dma_semaphore, #tpu.memory_space<semaphore_mem>>) src(%dma_wait3A_99 : memref<248x256xf32, #tpu.memory_space<hbm>>) dst(%dma_wait3A_97 : memref<248x256xf32, #tpu.memory_space<vmem>>)
    %add3A_100 = arith.constant 248 : i32
    %add3A_101 = arith.addi %mul3A_2, %add3A_100 : i32
    %dma_start3A_102 = arith.constant 1 : i32
    %dma_start3A_103 = arith.constant 0 : i32
    %dma_start3A_104 = arith.constant 0 : i32
    %dma_start3A_105 = tpu.memref_slice %arg4[%dma_start3A_102, %dma_start3A_103, %dma_start3A_104] : memref<2x248x256xf32, #tpu.memory_space<vmem>> -> memref<1x248x256xf32, #tpu.memory_space<vmem>>
    %dma_start3A_106 = tpu.memref_squeeze %dma_start3A_105 : memref<1x248x256xf32, #tpu.memory_space<vmem>> -> memref<248x256xf32, #tpu.memory_space<vmem>>
    %dma_start3A_107 = arith.constant 0 : i32
    %dma_start3A_108 = tpu.memref_slice %arg3[%add3A_101, %dma_start3A_107] : memref<131072x256xf32, #tpu.memory_space<hbm>> -> memref<248x256xf32, #tpu.memory_space<hbm>>
    %dma_start3A_109 = arith.constant 0 : i32
    %dma_start3A_110 = tpu.memref_slice %arg3[%add3A_101, %dma_start3A_109] : memref<131072x256xf32, #tpu.memory_space<hbm>> -> memref<248x256xf32, #tpu.memory_space<hbm>>
    %dma_start3A_111 = arith.constant 0 : i32
    %dma_start3A_112 = arith.constant 0 : i32
    %dma_start3A_113 = tpu.memref_slice %arg4[%dma_start3A_102, %dma_start3A_111, %dma_start3A_112] : memref<2x248x256xf32, #tpu.memory_space<vmem>> -> memref<1x248x256xf32, #tpu.memory_space<vmem>>
    %dma_start3A_114 = tpu.memref_squeeze %dma_start3A_113 : memref<1x248x256xf32, #tpu.memory_space<vmem>> -> memref<248x256xf32, #tpu.memory_space<vmem>>
    tpu.enqueue_dma source(%dma_start3A_114 : memref<248x256xf32, #tpu.memory_space<vmem>>) target(%dma_start3A_110 : memref<248x256xf32, #tpu.memory_space<hbm>>) target_semaphore(%arg8 : memref<!tpu.dma_semaphore, #tpu.memory_space<semaphore_mem>>)
    %dma_wait3A_115 = arith.constant 1 : i32
    %dma_wait3A_116 = arith.constant 0 : i32
    %dma_wait3A_117 = arith.constant 0 : i32
    %dma_wait3A_118 = tpu.memref_slice %arg4[%dma_wait3A_115, %dma_wait3A_116, %dma_wait3A_117] : memref<2x248x256xf32, #tpu.memory_space<vmem>> -> memref<1x248x256xf32, #tpu.memory_space<vmem>>
    %dma_wait3A_119 = tpu.memref_squeeze %dma_wait3A_118 : memref<1x248x256xf32, #tpu.memory_space<vmem>> -> memref<248x256xf32, #tpu.memory_space<vmem>>
    %dma_wait3A_120 = arith.constant 0 : i32
    %dma_wait3A_121 = tpu.memref_slice %arg3[%add3A_101, %dma_wait3A_120] : memref<131072x256xf32, #tpu.memory_space<hbm>> -> memref<248x256xf32, #tpu.memory_space<hbm>>
    %dma_wait3A_122 = arith.constant 0 : i32
    %dma_wait3A_123 = tpu.memref_slice %arg3[%add3A_101, %dma_wait3A_122] : memref<131072x256xf32, #tpu.memory_space<hbm>> -> memref<248x256xf32, #tpu.memory_space<hbm>>
    %dma_wait3A_124 = arith.constant 0 : i32
    %dma_wait3A_125 = arith.constant 0 : i32
    %dma_wait3A_126 = tpu.memref_slice %arg4[%dma_wait3A_115, %dma_wait3A_124, %dma_wait3A_125] : memref<2x248x256xf32, #tpu.memory_space<vmem>> -> memref<1x248x256xf32, #tpu.memory_space<vmem>>
    %dma_wait3A_127 = tpu.memref_squeeze %dma_wait3A_126 : memref<1x248x256xf32, #tpu.memory_space<vmem>> -> memref<248x256xf32, #tpu.memory_space<vmem>>
    tpu.wait_dma2 semaphore(%arg8 : memref<!tpu.dma_semaphore, #tpu.memory_space<semaphore_mem>>) src(%dma_wait3A_127 : memref<248x256xf32, #tpu.memory_space<vmem>>) dst(%dma_wait3A_123 : memref<248x256xf32, #tpu.memory_space<hbm>>)
    %add3A_128 = arith.constant 744 : i32
    %add3A_129 = arith.addi %mul3A_2, %add3A_128 : i32
    %dma_start3A_130 = arith.constant 1 : i32
    %dma_start3A_131 = arith.constant 0 : i32
    %dma_start3A_132 = arith.constant 0 : i32
    %dma_start3A_133 = tpu.memref_slice %arg4[%dma_start3A_130, %dma_start3A_131, %dma_start3A_132] : memref<2x248x256xf32, #tpu.memory_space<vmem>> -> memref<1x248x256xf32, #tpu.memory_space<vmem>>
    %dma_start3A_134 = tpu.memref_squeeze %dma_start3A_133 : memref<1x248x256xf32, #tpu.memory_space<vmem>> -> memref<248x256xf32, #tpu.memory_space<vmem>>
    %dma_start3A_135 = arith.constant 0 : i32
    %dma_start3A_136 = tpu.memref_slice %arg2[%add3A_129, %dma_start3A_135] : memref<131072x256xf32, #tpu.memory_space<hbm>> -> memref<248x256xf32, #tpu.memory_space<hbm>>
    %dma_start3A_137 = arith.constant 0 : i32
    %dma_start3A_138 = arith.constant 0 : i32
    %dma_start3A_139 = tpu.memref_slice %arg4[%dma_start3A_130, %dma_start3A_137, %dma_start3A_138] : memref<2x248x256xf32, #tpu.memory_space<vmem>> -> memref<1x248x256xf32, #tpu.memory_space<vmem>>
    %dma_start3A_140 = tpu.memref_squeeze %dma_start3A_139 : memref<1x248x256xf32, #tpu.memory_space<vmem>> -> memref<248x256xf32, #tpu.memory_space<vmem>>
    %dma_start3A_141 = arith.constant 0 : i32
    %dma_start3A_142 = tpu.memref_slice %arg2[%add3A_129, %dma_start3A_141] : memref<131072x256xf32, #tpu.memory_space<hbm>> -> memref<248x256xf32, #tpu.memory_space<hbm>>
    tpu.enqueue_dma source(%dma_start3A_142 : memref<248x256xf32, #tpu.memory_space<hbm>>) target(%dma_start3A_140 : memref<248x256xf32, #tpu.memory_space<vmem>>) target_semaphore(%arg6 : memref<!tpu.dma_semaphore, #tpu.memory_space<semaphore_mem>>)
    %dma_wait3A_143 = arith.constant 0 : i32
    %dma_wait3A_144 = arith.constant 0 : i32
    %dma_wait3A_145 = arith.constant 0 : i32
    %dma_wait3A_146 = tpu.memref_slice %arg4[%dma_wait3A_143, %dma_wait3A_144, %dma_wait3A_145] : memref<2x248x256xf32, #tpu.memory_space<vmem>> -> memref<1x248x256xf32, #tpu.memory_space<vmem>>
    %dma_wait3A_147 = tpu.memref_squeeze %dma_wait3A_146 : memref<1x248x256xf32, #tpu.memory_space<vmem>> -> memref<248x256xf32, #tpu.memory_space<vmem>>
    %dma_wait3A_148 = arith.constant 0 : i32
    %dma_wait3A_149 = tpu.memref_slice %arg2[%add3A_73, %dma_wait3A_148] : memref<131072x256xf32, #tpu.memory_space<hbm>> -> memref<248x256xf32, #tpu.memory_space<hbm>>
    %dma_wait3A_150 = arith.constant 0 : i32
    %dma_wait3A_151 = arith.constant 0 : i32
    %dma_wait3A_152 = tpu.memref_slice %arg4[%dma_wait3A_143, %dma_wait3A_150, %dma_wait3A_151] : memref<2x248x256xf32, #tpu.memory_space<vmem>> -> memref<1x248x256xf32, #tpu.memory_space<vmem>>
    %dma_wait3A_153 = tpu.memref_squeeze %dma_wait3A_152 : memref<1x248x256xf32, #tpu.memory_space<vmem>> -> memref<248x256xf32, #tpu.memory_space<vmem>>
    %dma_wait3A_154 = arith.constant 0 : i32
    %dma_wait3A_155 = tpu.memref_slice %arg2[%add3A_73, %dma_wait3A_154] : memref<131072x256xf32, #tpu.memory_space<hbm>> -> memref<248x256xf32, #tpu.memory_space<hbm>>
    tpu.wait_dma2 semaphore(%arg5 : memref<!tpu.dma_semaphore, #tpu.memory_space<semaphore_mem>>) src(%dma_wait3A_155 : memref<248x256xf32, #tpu.memory_space<hbm>>) dst(%dma_wait3A_153 : memref<248x256xf32, #tpu.memory_space<vmem>>)
    %add3A_156 = arith.constant 496 : i32
    %add3A_157 = arith.addi %mul3A_2, %add3A_156 : i32
    %dma_start3A_158 = arith.constant 0 : i32
    %dma_start3A_159 = arith.constant 0 : i32
    %dma_start3A_160 = arith.constant 0 : i32
    %dma_start3A_161 = tpu.memref_slice %arg4[%dma_start3A_158, %dma_start3A_159, %dma_start3A_160] : memref<2x248x256xf32, #tpu.memory_space<vmem>> -> memref<1x248x256xf32, #tpu.memory_space<vmem>>
    %dma_start3A_162 = tpu.memref_squeeze %dma_start3A_161 : memref<1x248x256xf32, #tpu.memory_space<vmem>> -> memref<248x256xf32, #tpu.memory_space<vmem>>
    %dma_start3A_163 = arith.constant 0 : i32
    %dma_start3A_164 = tpu.memref_slice %arg3[%add3A_157, %dma_start3A_163] : memref<131072x256xf32, #tpu.memory_space<hbm>> -> memref<248x256xf32, #tpu.memory_space<hbm>>
    %dma_start3A_165 = arith.constant 0 : i32
    %dma_start3A_166 = tpu.memref_slice %arg3[%add3A_157, %dma_start3A_165] : memref<131072x256xf32, #tpu.memory_space<hbm>> -> memref<248x256xf32, #tpu.memory_space<hbm>>
    %dma_start3A_167 = arith.constant 0 : i32
    %dma_start3A_168 = arith.constant 0 : i32
    %dma_start3A_169 = tpu.memref_slice %arg4[%dma_start3A_158, %dma_start3A_167, %dma_start3A_168] : memref<2x248x256xf32, #tpu.memory_space<vmem>> -> memref<1x248x256xf32, #tpu.memory_space<vmem>>
    %dma_start3A_170 = tpu.memref_squeeze %dma_start3A_169 : memref<1x248x256xf32, #tpu.memory_space<vmem>> -> memref<248x256xf32, #tpu.memory_space<vmem>>
    tpu.enqueue_dma source(%dma_start3A_170 : memref<248x256xf32, #tpu.memory_space<vmem>>) target(%dma_start3A_166 : memref<248x256xf32, #tpu.memory_space<hbm>>) target_semaphore(%arg7 : memref<!tpu.dma_semaphore, #tpu.memory_space<semaphore_mem>>)
    %dma_wait3A_171 = arith.constant 0 : i32
    %dma_wait3A_172 = arith.constant 0 : i32
    %dma_wait3A_173 = arith.constant 0 : i32
    %dma_wait3A_174 = tpu.memref_slice %arg4[%dma_wait3A_171, %dma_wait3A_172, %dma_wait3A_173] : memref<2x248x256xf32, #tpu.memory_space<vmem>> -> memref<1x248x256xf32, #tpu.memory_space<vmem>>
    %dma_wait3A_175 = tpu.memref_squeeze %dma_wait3A_174 : memref<1x248x256xf32, #tpu.memory_space<vmem>> -> memref<248x256xf32, #tpu.memory_space<vmem>>
    %dma_wait3A_176 = arith.constant 0 : i32
    %dma_wait3A_177 = tpu.memref_slice %arg3[%add3A_157, %dma_wait3A_176] : memref<131072x256xf32, #tpu.memory_space<hbm>> -> memref<248x256xf32, #tpu.memory_space<hbm>>
    %dma_wait3A_178 = arith.constant 0 : i32
    %dma_wait3A_179 = tpu.memref_slice %arg3[%add3A_157, %dma_wait3A_178] : memref<131072x256xf32, #tpu.memory_space<hbm>> -> memref<248x256xf32, #tpu.memory_space<hbm>>
    %dma_wait3A_180 = arith.constant 0 : i32
    %dma_wait3A_181 = arith.constant 0 : i32
    %dma_wait3A_182 = tpu.memref_slice %arg4[%dma_wait3A_171, %dma_wait3A_180, %dma_wait3A_181] : memref<2x248x256xf32, #tpu.memory_space<vmem>> -> memref<1x248x256xf32, #tpu.memory_space<vmem>>
    %dma_wait3A_183 = tpu.memref_squeeze %dma_wait3A_182 : memref<1x248x256xf32, #tpu.memory_space<vmem>> -> memref<248x256xf32, #tpu.memory_space<vmem>>
    tpu.wait_dma2 semaphore(%arg7 : memref<!tpu.dma_semaphore, #tpu.memory_space<semaphore_mem>>) src(%dma_wait3A_183 : memref<248x256xf32, #tpu.memory_space<vmem>>) dst(%dma_wait3A_179 : memref<248x256xf32, #tpu.memory_space<hbm>>)
    %add3A_184 = arith.constant 992 : i32
    %add3A_185 = arith.addi %mul3A_2, %add3A_184 : i32
    %dma_start3A_186 = arith.constant 0 : i32
    %dma_start3A_187 = arith.constant 0 : i32
    %dma_start3A_188 = arith.constant 0 : i32
    %dma_start3A_189 = tpu.memref_slice %arg4[%dma_start3A_186, %dma_start3A_187, %dma_start3A_188] : memref<2x248x256xf32, #tpu.memory_space<vmem>> -> memref<1x248x256xf32, #tpu.memory_space<vmem>>
    %dma_start3A_190 = tpu.memref_squeeze %dma_start3A_189 : memref<1x248x256xf32, #tpu.memory_space<vmem>> -> memref<248x256xf32, #tpu.memory_space<vmem>>
    %dma_start3A_191 = arith.constant 0 : i32
    %dma_start3A_192 = tpu.memref_slice %arg2[%add3A_185, %dma_start3A_191] : memref<131072x256xf32, #tpu.memory_space<hbm>> -> memref<248x256xf32, #tpu.memory_space<hbm>>
    %dma_start3A_193 = arith.constant 0 : i32
    %dma_start3A_194 = arith.constant 0 : i32
    %dma_start3A_195 = tpu.memref_slice %arg4[%dma_start3A_186, %dma_start3A_193, %dma_start3A_194] : memref<2x248x256xf32, #tpu.memory_space<vmem>> -> memref<1x248x256xf32, #tpu.memory_space<vmem>>
    %dma_start3A_196 = tpu.memref_squeeze %dma_start3A_195 : memref<1x248x256xf32, #tpu.memory_space<vmem>> -> memref<248x256xf32, #tpu.memory_space<vmem>>
    %dma_start3A_197 = arith.constant 0 : i32
    %dma_start3A_198 = tpu.memref_slice %arg2[%add3A_185, %dma_start3A_197] : memref<131072x256xf32, #tpu.memory_space<hbm>> -> memref<248x256xf32, #tpu.memory_space<hbm>>
    tpu.enqueue_dma source(%dma_start3A_198 : memref<248x256xf32, #tpu.memory_space<hbm>>) target(%dma_start3A_196 : memref<248x256xf32, #tpu.memory_space<vmem>>) target_semaphore(%arg5 : memref<!tpu.dma_semaphore, #tpu.memory_space<semaphore_mem>>)
    %dma_wait3A_199 = arith.constant 1 : i32
    %dma_wait3A_200 = arith.constant 0 : i32
    %dma_wait3A_201 = arith.constant 0 : i32
    %dma_wait3A_202 = tpu.memref_slice %arg4[%dma_wait3A_199, %dma_wait3A_200, %dma_wait3A_201] : memref<2x248x256xf32, #tpu.memory_space<vmem>> -> memref<1x248x256xf32, #tpu.memory_space<vmem>>
    %dma_wait3A_203 = tpu.memref_squeeze %dma_wait3A_202 : memref<1x248x256xf32, #tpu.memory_space<vmem>> -> memref<248x256xf32, #tpu.memory_space<vmem>>
    %dma_wait3A_204 = arith.constant 0 : i32
    %dma_wait3A_205 = tpu.memref_slice %arg2[%add3A_129, %dma_wait3A_204] : memref<131072x256xf32, #tpu.memory_space<hbm>> -> memref<248x256xf32, #tpu.memory_space<hbm>>
    %dma_wait3A_206 = arith.constant 0 : i32
    %dma_wait3A_207 = arith.constant 0 : i32
    %dma_wait3A_208 = tpu.memref_slice %arg4[%dma_wait3A_199, %dma_wait3A_206, %dma_wait3A_207] : memref<2x248x256xf32, #tpu.memory_space<vmem>> -> memref<1x248x256xf32, #tpu.memory_space<vmem>>
    %dma_wait3A_209 = tpu.memref_squeeze %dma_wait3A_208 : memref<1x248x256xf32, #tpu.memory_space<vmem>> -> memref<248x256xf32, #tpu.memory_space<vmem>>
    %dma_wait3A_210 = arith.constant 0 : i32
    %dma_wait3A_211 = tpu.memref_slice %arg2[%add3A_129, %dma_wait3A_210] : memref<131072x256xf32, #tpu.memory_space<hbm>> -> memref<248x256xf32, #tpu.memory_space<hbm>>
    tpu.wait_dma2 semaphore(%arg6 : memref<!tpu.dma_semaphore, #tpu.memory_space<semaphore_mem>>) src(%dma_wait3A_211 : memref<248x256xf32, #tpu.memory_space<hbm>>) dst(%dma_wait3A_209 : memref<248x256xf32, #tpu.memory_space<vmem>>)
    %add3A_212 = arith.constant 744 : i32
    %add3A_213 = arith.addi %mul3A_2, %add3A_212 : i32
    %dma_start3A_214 = arith.constant 1 : i32
    %dma_start3A_215 = arith.constant 0 : i32
    %dma_start3A_216 = arith.constant 0 : i32
    %dma_start3A_217 = tpu.memref_slice %arg4[%dma_start3A_214, %dma_start3A_215, %dma_start3A_216] : memref<2x248x256xf32, #tpu.memory_space<vmem>> -> memref<1x248x256xf32, #tpu.memory_space<vmem>>
    %dma_start3A_218 = tpu.memref_squeeze %dma_start3A_217 : memref<1x248x256xf32, #tpu.memory_space<vmem>> -> memref<248x256xf32, #tpu.memory_space<vmem>>
    %dma_start3A_219 = arith.constant 0 : i32
    %dma_start3A_220 = tpu.memref_slice %arg3[%add3A_213, %dma_start3A_219] : memref<131072x256xf32, #tpu.memory_space<hbm>> -> memref<248x256xf32, #tpu.memory_space<hbm>>
    %dma_start3A_221 = arith.constant 0 : i32
    %dma_start3A_222 = tpu.memref_slice %arg3[%add3A_213, %dma_start3A_221] : memref<131072x256xf32, #tpu.memory_space<hbm>> -> memref<248x256xf32, #tpu.memory_space<hbm>>
    %dma_start3A_223 = arith.constant 0 : i32
    %dma_start3A_224 = arith.constant 0 : i32
    %dma_start3A_225 = tpu.memref_slice %arg4[%dma_start3A_214, %dma_start3A_223, %dma_start3A_224] : memref<2x248x256xf32, #tpu.memory_space<vmem>> -> memref<1x248x256xf32, #tpu.memory_space<vmem>>
    %dma_start3A_226 = tpu.memref_squeeze %dma_start3A_225 : memref<1x248x256xf32, #tpu.memory_space<vmem>> -> memref<248x256xf32, #tpu.memory_space<vmem>>
    tpu.enqueue_dma source(%dma_start3A_226 : memref<248x256xf32, #tpu.memory_space<vmem>>) target(%dma_start3A_222 : memref<248x256xf32, #tpu.memory_space<hbm>>) target_semaphore(%arg8 : memref<!tpu.dma_semaphore, #tpu.memory_space<semaphore_mem>>)
    %dma_wait3A_227 = arith.constant 1 : i32
    %dma_wait3A_228 = arith.constant 0 : i32
    %dma_wait3A_229 = arith.constant 0 : i32
    %dma_wait3A_230 = tpu.memref_slice %arg4[%dma_wait3A_227, %dma_wait3A_228, %dma_wait3A_229] : memref<2x248x256xf32, #tpu.memory_space<vmem>> -> memref<1x248x256xf32, #tpu.memory_space<vmem>>
    %dma_wait3A_231 = tpu.memref_squeeze %dma_wait3A_230 : memref<1x248x256xf32, #tpu.memory_space<vmem>> -> memref<248x256xf32, #tpu.memory_space<vmem>>
    %dma_wait3A_232 = arith.constant 0 : i32
    %dma_wait3A_233 = tpu.memref_slice %arg3[%add3A_213, %dma_wait3A_232] : memref<131072x256xf32, #tpu.memory_space<hbm>> -> memref<248x256xf32, #tpu.memory_space<hbm>>
    %dma_wait3A_234 = arith.constant 0 : i32
    %dma_wait3A_235 = tpu.memref_slice %arg3[%add3A_213, %dma_wait3A_234] : memref<131072x256xf32, #tpu.memory_space<hbm>> -> memref<248x256xf32, #tpu.memory_space<hbm>>
    %dma_wait3A_236 = arith.constant 0 : i32
    %dma_wait3A_237 = arith.constant 0 : i32
    %dma_wait3A_238 = tpu.memref_slice %arg4[%dma_wait3A_227, %dma_wait3A_236, %dma_wait3A_237] : memref<2x248x256xf32, #tpu.memory_space<vmem>> -> memref<1x248x256xf32, #tpu.memory_space<vmem>>
    %dma_wait3A_239 = tpu.memref_squeeze %dma_wait3A_238 : memref<1x248x256xf32, #tpu.memory_space<vmem>> -> memref<248x256xf32, #tpu.memory_space<vmem>>
    tpu.wait_dma2 semaphore(%arg8 : memref<!tpu.dma_semaphore, #tpu.memory_space<semaphore_mem>>) src(%dma_wait3A_239 : memref<248x256xf32, #tpu.memory_space<vmem>>) dst(%dma_wait3A_235 : memref<248x256xf32, #tpu.memory_space<hbm>>)
    %add3A_240 = arith.constant 1240 : i32
    %add3A_241 = arith.addi %mul3A_2, %add3A_240 : i32
    %dma_start3A_242 = arith.constant 1 : i32
    %dma_start3A_243 = arith.constant 0 : i32
    %dma_start3A_244 = arith.constant 0 : i32
    %dma_start3A_245 = tpu.memref_slice %arg4[%dma_start3A_242, %dma_start3A_243, %dma_start3A_244] : memref<2x248x256xf32, #tpu.memory_space<vmem>> -> memref<1x248x256xf32, #tpu.memory_space<vmem>>
    %dma_start3A_246 = tpu.memref_squeeze %dma_start3A_245 : memref<1x248x256xf32, #tpu.memory_space<vmem>> -> memref<248x256xf32, #tpu.memory_space<vmem>>
    %dma_start3A_247 = arith.constant 0 : i32
    %dma_start3A_248 = tpu.memref_slice %arg2[%add3A_241, %dma_start3A_247] : memref<131072x256xf32, #tpu.memory_space<hbm>> -> memref<248x256xf32, #tpu.memory_space<hbm>>
    %dma_start3A_249 = arith.constant 0 : i32
    %dma_start3A_250 = arith.constant 0 : i32
    %dma_start3A_251 = tpu.memref_slice %arg4[%dma_start3A_242, %dma_start3A_249, %dma_start3A_250] : memref<2x248x256xf32, #tpu.memory_space<vmem>> -> memref<1x248x256xf32, #tpu.memory_space<vmem>>
    %dma_start3A_252 = tpu.memref_squeeze %dma_start3A_251 : memref<1x248x256xf32, #tpu.memory_space<vmem>> -> memref<248x256xf32, #tpu.memory_space<vmem>>
    %dma_start3A_253 = arith.constant 0 : i32
    %dma_start3A_254 = tpu.memref_slice %arg2[%add3A_241, %dma_start3A_253] : memref<131072x256xf32, #tpu.memory_space<hbm>> -> memref<248x256xf32, #tpu.memory_space<hbm>>
    tpu.enqueue_dma source(%dma_start3A_254 : memref<248x256xf32, #tpu.memory_space<hbm>>) target(%dma_start3A_252 : memref<248x256xf32, #tpu.memory_space<vmem>>) target_semaphore(%arg6 : memref<!tpu.dma_semaphore, #tpu.memory_space<semaphore_mem>>)
    %dma_wait3A_255 = arith.constant 0 : i32
    %dma_wait3A_256 = arith.constant 0 : i32
    %dma_wait3A_257 = arith.constant 0 : i32
    %dma_wait3A_258 = tpu.memref_slice %arg4[%dma_wait3A_255, %dma_wait3A_256, %dma_wait3A_257] : memref<2x248x256xf32, #tpu.memory_space<vmem>> -> memref<1x248x256xf32, #tpu.memory_space<vmem>>
    %dma_wait3A_259 = tpu.memref_squeeze %dma_wait3A_258 : memref<1x248x256xf32, #tpu.memory_space<vmem>> -> memref<248x256xf32, #tpu.memory_space<vmem>>
    %dma_wait3A_260 = arith.constant 0 : i32
    %dma_wait3A_261 = tpu.memref_slice %arg2[%add3A_185, %dma_wait3A_260] : memref<131072x256xf32, #tpu.memory_space<hbm>> -> memref<248x256xf32, #tpu.memory_space<hbm>>
    %dma_wait3A_262 = arith.constant 0 : i32
    %dma_wait3A_263 = arith.constant 0 : i32
    %dma_wait3A_264 = tpu.memref_slice %arg4[%dma_wait3A_255, %dma_wait3A_262, %dma_wait3A_263] : memref<2x248x256xf32, #tpu.memory_space<vmem>> -> memref<1x248x256xf32, #tpu.memory_space<vmem>>
    %dma_wait3A_265 = tpu.memref_squeeze %dma_wait3A_264 : memref<1x248x256xf32, #tpu.memory_space<vmem>> -> memref<248x256xf32, #tpu.memory_space<vmem>>
    %dma_wait3A_266 = arith.constant 0 : i32
    %dma_wait3A_267 = tpu.memref_slice %arg2[%add3A_185, %dma_wait3A_266] : memref<131072x256xf32, #tpu.memory_space<hbm>> -> memref<248x256xf32, #tpu.memory_space<hbm>>
    tpu.wait_dma2 semaphore(%arg5 : memref<!tpu.dma_semaphore, #tpu.memory_space<semaphore_mem>>) src(%dma_wait3A_267 : memref<248x256xf32, #tpu.memory_space<hbm>>) dst(%dma_wait3A_265 : memref<248x256xf32, #tpu.memory_space<vmem>>)
    %add3A_268 = arith.constant 992 : i32
    %add3A_269 = arith.addi %mul3A_2, %add3A_268 : i32
    %dma_start3A_270 = arith.constant 0 : i32
    %dma_start3A_271 = arith.constant 0 : i32
    %dma_start3A_272 = arith.constant 0 : i32
    %dma_start3A_273 = tpu.memref_slice %arg4[%dma_start3A_270, %dma_start3A_271, %dma_start3A_272] : memref<2x248x256xf32, #tpu.memory_space<vmem>> -> memref<1x248x256xf32, #tpu.memory_space<vmem>>
    %dma_start3A_274 = tpu.memref_squeeze %dma_start3A_273 : memref<1x248x256xf32, #tpu.memory_space<vmem>> -> memref<248x256xf32, #tpu.memory_space<vmem>>
    %dma_start3A_275 = arith.constant 0 : i32
    %dma_start3A_276 = tpu.memref_slice %arg3[%add3A_269, %dma_start3A_275] : memref<131072x256xf32, #tpu.memory_space<hbm>> -> memref<248x256xf32, #tpu.memory_space<hbm>>
    %dma_start3A_277 = arith.constant 0 : i32
    %dma_start3A_278 = tpu.memref_slice %arg3[%add3A_269, %dma_start3A_277] : memref<131072x256xf32, #tpu.memory_space<hbm>> -> memref<248x256xf32, #tpu.memory_space<hbm>>
    %dma_start3A_279 = arith.constant 0 : i32
    %dma_start3A_280 = arith.constant 0 : i32
    %dma_start3A_281 = tpu.memref_slice %arg4[%dma_start3A_270, %dma_start3A_279, %dma_start3A_280] : memref<2x248x256xf32, #tpu.memory_space<vmem>> -> memref<1x248x256xf32, #tpu.memory_space<vmem>>
    %dma_start3A_282 = tpu.memref_squeeze %dma_start3A_281 : memref<1x248x256xf32, #tpu.memory_space<vmem>> -> memref<248x256xf32, #tpu.memory_space<vmem>>
    tpu.enqueue_dma source(%dma_start3A_282 : memref<248x256xf32, #tpu.memory_space<vmem>>) target(%dma_start3A_278 : memref<248x256xf32, #tpu.memory_space<hbm>>) target_semaphore(%arg7 : memref<!tpu.dma_semaphore, #tpu.memory_space<semaphore_mem>>)
    %dma_wait3A_283 = arith.constant 0 : i32
    %dma_wait3A_284 = arith.constant 0 : i32
    %dma_wait3A_285 = arith.constant 0 : i32
    %dma_wait3A_286 = tpu.memref_slice %arg4[%dma_wait3A_283, %dma_wait3A_284, %dma_wait3A_285] : memref<2x248x256xf32, #tpu.memory_space<vmem>> -> memref<1x248x256xf32, #tpu.memory_space<vmem>>
    %dma_wait3A_287 = tpu.memref_squeeze %dma_wait3A_286 : memref<1x248x256xf32, #tpu.memory_space<vmem>> -> memref<248x256xf32, #tpu.memory_space<vmem>>
    %dma_wait3A_288 = arith.constant 0 : i32
    %dma_wait3A_289 = tpu.memref_slice %arg3[%add3A_269, %dma_wait3A_288] : memref<131072x256xf32, #tpu.memory_space<hbm>> -> memref<248x256xf32, #tpu.memory_space<hbm>>
    %dma_wait3A_290 = arith.constant 0 : i32
    %dma_wait3A_291 = tpu.memref_slice %arg3[%add3A_269, %dma_wait3A_290] : memref<131072x256xf32, #tpu.memory_space<hbm>> -> memref<248x256xf32, #tpu.memory_space<hbm>>
    %dma_wait3A_292 = arith.constant 0 : i32
    %dma_wait3A_293 = arith.constant 0 : i32
    %dma_wait3A_294 = tpu.memref_slice %arg4[%dma_wait3A_283, %dma_wait3A_292, %dma_wait3A_293] : memref<2x248x256xf32, #tpu.memory_space<vmem>> -> memref<1x248x256xf32, #tpu.memory_space<vmem>>
    %dma_wait3A_295 = tpu.memref_squeeze %dma_wait3A_294 : memref<1x248x256xf32, #tpu.memory_space<vmem>> -> memref<248x256xf32, #tpu.memory_space<vmem>>
    tpu.wait_dma2 semaphore(%arg7 : memref<!tpu.dma_semaphore, #tpu.memory_space<semaphore_mem>>) src(%dma_wait3A_295 : memref<248x256xf32, #tpu.memory_space<vmem>>) dst(%dma_wait3A_291 : memref<248x256xf32, #tpu.memory_space<hbm>>)
    %add3A_296 = arith.constant 1488 : i32
    %add3A_297 = arith.addi %mul3A_2, %add3A_296 : i32
    %dma_start3A_298 = arith.constant 0 : i32
    %dma_start3A_299 = arith.constant 0 : i32
    %dma_start3A_300 = arith.constant 0 : i32
    %dma_start3A_301 = tpu.memref_slice %arg4[%dma_start3A_298, %dma_start3A_299, %dma_start3A_300] : memref<2x248x256xf32, #tpu.memory_space<vmem>> -> memref<1x248x256xf32, #tpu.memory_space<vmem>>
    %dma_start3A_302 = tpu.memref_squeeze %dma_start3A_301 : memref<1x248x256xf32, #tpu.memory_space<vmem>> -> memref<248x256xf32, #tpu.memory_space<vmem>>
    %dma_start3A_303 = arith.constant 0 : i32
    %dma_start3A_304 = tpu.memref_slice %arg2[%add3A_297, %dma_start3A_303] : memref<131072x256xf32, #tpu.memory_space<hbm>> -> memref<248x256xf32, #tpu.memory_space<hbm>>
    %dma_start3A_305 = arith.constant 0 : i32
    %dma_start3A_306 = arith.constant 0 : i32
    %dma_start3A_307 = tpu.memref_slice %arg4[%dma_start3A_298, %dma_start3A_305, %dma_start3A_306] : memref<2x248x256xf32, #tpu.memory_space<vmem>> -> memref<1x248x256xf32, #tpu.memory_space<vmem>>
    %dma_start3A_308 = tpu.memref_squeeze %dma_start3A_307 : memref<1x248x256xf32, #tpu.memory_space<vmem>> -> memref<248x256xf32, #tpu.memory_space<vmem>>
    %dma_start3A_309 = arith.constant 0 : i32
    %dma_start3A_310 = tpu.memref_slice %arg2[%add3A_297, %dma_start3A_309] : memref<131072x256xf32, #tpu.memory_space<hbm>> -> memref<248x256xf32, #tpu.memory_space<hbm>>
    tpu.enqueue_dma source(%dma_start3A_310 : memref<248x256xf32, #tpu.memory_space<hbm>>) target(%dma_start3A_308 : memref<248x256xf32, #tpu.memory_space<vmem>>) target_semaphore(%arg5 : memref<!tpu.dma_semaphore, #tpu.memory_space<semaphore_mem>>)
    %dma_wait3A_311 = arith.constant 1 : i32
    %dma_wait3A_312 = arith.constant 0 : i32
    %dma_wait3A_313 = arith.constant 0 : i32
    %dma_wait3A_314 = tpu.memref_slice %arg4[%dma_wait3A_311, %dma_wait3A_312, %dma_wait3A_313] : memref<2x248x256xf32, #tpu.memory_space<vmem>> -> memref<1x248x256xf32, #tpu.memory_space<vmem>>
    %dma_wait3A_315 = tpu.memref_squeeze %dma_wait3A_314 : memref<1x248x256xf32, #tpu.memory_space<vmem>> -> memref<248x256xf32, #tpu.memory_space<vmem>>
    %dma_wait3A_316 = arith.constant 0 : i32
    %dma_wait3A_317 = tpu.memref_slice %arg2[%add3A_241, %dma_wait3A_316] : memref<131072x256xf32, #tpu.memory_space<hbm>> -> memref<248x256xf32, #tpu.memory_space<hbm>>
    %dma_wait3A_318 = arith.constant 0 : i32
    %dma_wait3A_319 = arith.constant 0 : i32
    %dma_wait3A_320 = tpu.memref_slice %arg4[%dma_wait3A_311, %dma_wait3A_318, %dma_wait3A_319] : memref<2x248x256xf32, #tpu.memory_space<vmem>> -> memref<1x248x256xf32, #tpu.memory_space<vmem>>
    %dma_wait3A_321 = tpu.memref_squeeze %dma_wait3A_320 : memref<1x248x256xf32, #tpu.memory_space<vmem>> -> memref<248x256xf32, #tpu.memory_space<vmem>>
    %dma_wait3A_322 = arith.constant 0 : i32
    %dma_wait3A_323 = tpu.memref_slice %arg2[%add3A_241, %dma_wait3A_322] : memref<131072x256xf32, #tpu.memory_space<hbm>> -> memref<248x256xf32, #tpu.memory_space<hbm>>
    tpu.wait_dma2 semaphore(%arg6 : memref<!tpu.dma_semaphore, #tpu.memory_space<semaphore_mem>>) src(%dma_wait3A_323 : memref<248x256xf32, #tpu.memory_space<hbm>>) dst(%dma_wait3A_321 : memref<248x256xf32, #tpu.memory_space<vmem>>)
    %add3A_324 = arith.constant 1240 : i32
    %add3A_325 = arith.addi %mul3A_2, %add3A_324 : i32
    %dma_start3A_326 = arith.constant 1 : i32
    %dma_start3A_327 = arith.constant 0 : i32
    %dma_start3A_328 = arith.constant 0 : i32
    %dma_start3A_329 = tpu.memref_slice %arg4[%dma_start3A_326, %dma_start3A_327, %dma_start3A_328] : memref<2x248x256xf32, #tpu.memory_space<vmem>> -> memref<1x248x256xf32, #tpu.memory_space<vmem>>
    %dma_start3A_330 = tpu.memref_squeeze %dma_start3A_329 : memref<1x248x256xf32, #tpu.memory_space<vmem>> -> memref<248x256xf32, #tpu.memory_space<vmem>>
    %dma_start3A_331 = arith.constant 0 : i32
    %dma_start3A_332 = tpu.memref_slice %arg3[%add3A_325, %dma_start3A_331] : memref<131072x256xf32, #tpu.memory_space<hbm>> -> memref<248x256xf32, #tpu.memory_space<hbm>>
    %dma_start3A_333 = arith.constant 0 : i32
    %dma_start3A_334 = tpu.memref_slice %arg3[%add3A_325, %dma_start3A_333] : memref<131072x256xf32, #tpu.memory_space<hbm>> -> memref<248x256xf32, #tpu.memory_space<hbm>>
    %dma_start3A_335 = arith.constant 0 : i32
    %dma_start3A_336 = arith.constant 0 : i32
    %dma_start3A_337 = tpu.memref_slice %arg4[%dma_start3A_326, %dma_start3A_335, %dma_start3A_336] : memref<2x248x256xf32, #tpu.memory_space<vmem>> -> memref<1x248x256xf32, #tpu.memory_space<vmem>>
    %dma_start3A_338 = tpu.memref_squeeze %dma_start3A_337 : memref<1x248x256xf32, #tpu.memory_space<vmem>> -> memref<248x256xf32, #tpu.memory_space<vmem>>
    tpu.enqueue_dma source(%dma_start3A_338 : memref<248x256xf32, #tpu.memory_space<vmem>>) target(%dma_start3A_334 : memref<248x256xf32, #tpu.memory_space<hbm>>) target_semaphore(%arg8 : memref<!tpu.dma_semaphore, #tpu.memory_space<semaphore_mem>>)
    %dma_wait3A_339 = arith.constant 1 : i32
    %dma_wait3A_340 = arith.constant 0 : i32
    %dma_wait3A_341 = arith.constant 0 : i32
    %dma_wait3A_342 = tpu.memref_slice %arg4[%dma_wait3A_339, %dma_wait3A_340, %dma_wait3A_341] : memref<2x248x256xf32, #tpu.memory_space<vmem>> -> memref<1x248x256xf32, #tpu.memory_space<vmem>>
    %dma_wait3A_343 = tpu.memref_squeeze %dma_wait3A_342 : memref<1x248x256xf32, #tpu.memory_space<vmem>> -> memref<248x256xf32, #tpu.memory_space<vmem>>
    %dma_wait3A_344 = arith.constant 0 : i32
    %dma_wait3A_345 = tpu.memref_slice %arg3[%add3A_325, %dma_wait3A_344] : memref<131072x256xf32, #tpu.memory_space<hbm>> -> memref<248x256xf32, #tpu.memory_space<hbm>>
    %dma_wait3A_346 = arith.constant 0 : i32
    %dma_wait3A_347 = tpu.memref_slice %arg3[%add3A_325, %dma_wait3A_346] : memref<131072x256xf32, #tpu.memory_space<hbm>> -> memref<248x256xf32, #tpu.memory_space<hbm>>
    %dma_wait3A_348 = arith.constant 0 : i32
    %dma_wait3A_349 = arith.constant 0 : i32
    %dma_wait3A_350 = tpu.memref_slice %arg4[%dma_wait3A_339, %dma_wait3A_348, %dma_wait3A_349] : memref<2x248x256xf32, #tpu.memory_space<vmem>> -> memref<1x248x256xf32, #tpu.memory_space<vmem>>
    %dma_wait3A_351 = tpu.memref_squeeze %dma_wait3A_350 : memref<1x248x256xf32, #tpu.memory_space<vmem>> -> memref<248x256xf32, #tpu.memory_space<vmem>>
    tpu.wait_dma2 semaphore(%arg8 : memref<!tpu.dma_semaphore, #tpu.memory_space<semaphore_mem>>) src(%dma_wait3A_351 : memref<248x256xf32, #tpu.memory_space<vmem>>) dst(%dma_wait3A_347 : memref<248x256xf32, #tpu.memory_space<hbm>>)
    %add3A_352 = arith.constant 1736 : i32
    %add3A_353 = arith.addi %mul3A_2, %add3A_352 : i32
    %dma_start3A_354 = arith.constant 1 : i32
    %dma_start3A_355 = arith.constant 0 : i32
    %dma_start3A_356 = arith.constant 0 : i32
    %dma_start3A_357 = tpu.memref_slice %arg4[%dma_start3A_354, %dma_start3A_355, %dma_start3A_356] : memref<2x248x256xf32, #tpu.memory_space<vmem>> -> memref<1x248x256xf32, #tpu.memory_space<vmem>>
    %dma_start3A_358 = tpu.memref_squeeze %dma_start3A_357 : memref<1x248x256xf32, #tpu.memory_space<vmem>> -> memref<248x256xf32, #tpu.memory_space<vmem>>
    %dma_start3A_359 = arith.constant 0 : i32
    %dma_start3A_360 = tpu.memref_slice %arg2[%add3A_353, %dma_start3A_359] : memref<131072x256xf32, #tpu.memory_space<hbm>> -> memref<248x256xf32, #tpu.memory_space<hbm>>
    %dma_start3A_361 = arith.constant 0 : i32
    %dma_start3A_362 = arith.constant 0 : i32
    %dma_start3A_363 = tpu.memref_slice %arg4[%dma_start3A_354, %dma_start3A_361, %dma_start3A_362] : memref<2x248x256xf32, #tpu.memory_space<vmem>> -> memref<1x248x256xf32, #tpu.memory_space<vmem>>
    %dma_start3A_364 = tpu.memref_squeeze %dma_start3A_363 : memref<1x248x256xf32, #tpu.memory_space<vmem>> -> memref<248x256xf32, #tpu.memory_space<vmem>>
    %dma_start3A_365 = arith.constant 0 : i32
    %dma_start3A_366 = tpu.memref_slice %arg2[%add3A_353, %dma_start3A_365] : memref<131072x256xf32, #tpu.memory_space<hbm>> -> memref<248x256xf32, #tpu.memory_space<hbm>>
    tpu.enqueue_dma source(%dma_start3A_366 : memref<248x256xf32, #tpu.memory_space<hbm>>) target(%dma_start3A_364 : memref<248x256xf32, #tpu.memory_space<vmem>>) target_semaphore(%arg6 : memref<!tpu.dma_semaphore, #tpu.memory_space<semaphore_mem>>)
    %dma_wait3A_367 = arith.constant 0 : i32
    %dma_wait3A_368 = arith.constant 0 : i32
    %dma_wait3A_369 = arith.constant 0 : i32
    %dma_wait3A_370 = tpu.memref_slice %arg4[%dma_wait3A_367, %dma_wait3A_368, %dma_wait3A_369] : memref<2x248x256xf32, #tpu.memory_space<vmem>> -> memref<1x248x256xf32, #tpu.memory_space<vmem>>
    %dma_wait3A_371 = tpu.memref_squeeze %dma_wait3A_370 : memref<1x248x256xf32, #tpu.memory_space<vmem>> -> memref<248x256xf32, #tpu.memory_space<vmem>>
    %dma_wait3A_372 = arith.constant 0 : i32
    %dma_wait3A_373 = tpu.memref_slice %arg2[%add3A_297, %dma_wait3A_372] : memref<131072x256xf32, #tpu.memory_space<hbm>> -> memref<248x256xf32, #tpu.memory_space<hbm>>
    %dma_wait3A_374 = arith.constant 0 : i32
    %dma_wait3A_375 = arith.constant 0 : i32
    %dma_wait3A_376 = tpu.memref_slice %arg4[%dma_wait3A_367, %dma_wait3A_374, %dma_wait3A_375] : memref<2x248x256xf32, #tpu.memory_space<vmem>> -> memref<1x248x256xf32, #tpu.memory_space<vmem>>
    %dma_wait3A_377 = tpu.memref_squeeze %dma_wait3A_376 : memref<1x248x256xf32, #tpu.memory_space<vmem>> -> memref<248x256xf32, #tpu.memory_space<vmem>>
    %dma_wait3A_378 = arith.constant 0 : i32
    %dma_wait3A_379 = tpu.memref_slice %arg2[%add3A_297, %dma_wait3A_378] : memref<131072x256xf32, #tpu.memory_space<hbm>> -> memref<248x256xf32, #tpu.memory_space<hbm>>
    tpu.wait_dma2 semaphore(%arg5 : memref<!tpu.dma_semaphore, #tpu.memory_space<semaphore_mem>>) src(%dma_wait3A_379 : memref<248x256xf32, #tpu.memory_space<hbm>>) dst(%dma_wait3A_377 : memref<248x256xf32, #tpu.memory_space<vmem>>)
    %add3A_380 = arith.constant 1488 : i32
    %add3A_381 = arith.addi %mul3A_2, %add3A_380 : i32
    %dma_start3A_382 = arith.constant 0 : i32
    %dma_start3A_383 = arith.constant 0 : i32
    %dma_start3A_384 = arith.constant 0 : i32
    %dma_start3A_385 = tpu.memref_slice %arg4[%dma_start3A_382, %dma_start3A_383, %dma_start3A_384] : memref<2x248x256xf32, #tpu.memory_space<vmem>> -> memref<1x248x256xf32, #tpu.memory_space<vmem>>
    %dma_start3A_386 = tpu.memref_squeeze %dma_start3A_385 : memref<1x248x256xf32, #tpu.memory_space<vmem>> -> memref<248x256xf32, #tpu.memory_space<vmem>>
    %dma_start3A_387 = arith.constant 0 : i32
    %dma_start3A_388 = tpu.memref_slice %arg3[%add3A_381, %dma_start3A_387] : memref<131072x256xf32, #tpu.memory_space<hbm>> -> memref<248x256xf32, #tpu.memory_space<hbm>>
    %dma_start3A_389 = arith.constant 0 : i32
    %dma_start3A_390 = tpu.memref_slice %arg3[%add3A_381, %dma_start3A_389] : memref<131072x256xf32, #tpu.memory_space<hbm>> -> memref<248x256xf32, #tpu.memory_space<hbm>>
    %dma_start3A_391 = arith.constant 0 : i32
    %dma_start3A_392 = arith.constant 0 : i32
    %dma_start3A_393 = tpu.memref_slice %arg4[%dma_start3A_382, %dma_start3A_391, %dma_start3A_392] : memref<2x248x256xf32, #tpu.memory_space<vmem>> -> memref<1x248x256xf32, #tpu.memory_space<vmem>>
    %dma_start3A_394 = tpu.memref_squeeze %dma_start3A_393 : memref<1x248x256xf32, #tpu.memory_space<vmem>> -> memref<248x256xf32, #tpu.memory_space<vmem>>
    tpu.enqueue_dma source(%dma_start3A_394 : memref<248x256xf32, #tpu.memory_space<vmem>>) target(%dma_start3A_390 : memref<248x256xf32, #tpu.memory_space<hbm>>) target_semaphore(%arg7 : memref<!tpu.dma_semaphore, #tpu.memory_space<semaphore_mem>>)
    %dma_wait3A_395 = arith.constant 0 : i32
    %dma_wait3A_396 = arith.constant 0 : i32
    %dma_wait3A_397 = arith.constant 0 : i32
    %dma_wait3A_398 = tpu.memref_slice %arg4[%dma_wait3A_395, %dma_wait3A_396, %dma_wait3A_397] : memref<2x248x256xf32, #tpu.memory_space<vmem>> -> memref<1x248x256xf32, #tpu.memory_space<vmem>>
    %dma_wait3A_399 = tpu.memref_squeeze %dma_wait3A_398 : memref<1x248x256xf32, #tpu.memory_space<vmem>> -> memref<248x256xf32, #tpu.memory_space<vmem>>
    %dma_wait3A_400 = arith.constant 0 : i32
    %dma_wait3A_401 = tpu.memref_slice %arg3[%add3A_381, %dma_wait3A_400] : memref<131072x256xf32, #tpu.memory_space<hbm>> -> memref<248x256xf32, #tpu.memory_space<hbm>>
    %dma_wait3A_402 = arith.constant 0 : i32
    %dma_wait3A_403 = tpu.memref_slice %arg3[%add3A_381, %dma_wait3A_402] : memref<131072x256xf32, #tpu.memory_space<hbm>> -> memref<248x256xf32, #tpu.memory_space<hbm>>
    %dma_wait3A_404 = arith.constant 0 : i32
    %dma_wait3A_405 = arith.constant 0 : i32
    %dma_wait3A_406 = tpu.memref_slice %arg4[%dma_wait3A_395, %dma_wait3A_404, %dma_wait3A_405] : memref<2x248x256xf32, #tpu.memory_space<vmem>> -> memref<1x248x256xf32, #tpu.memory_space<vmem>>
    %dma_wait3A_407 = tpu.memref_squeeze %dma_wait3A_406 : memref<1x248x256xf32, #tpu.memory_space<vmem>> -> memref<248x256xf32, #tpu.memory_space<vmem>>
    tpu.wait_dma2 semaphore(%arg7 : memref<!tpu.dma_semaphore, #tpu.memory_space<semaphore_mem>>) src(%dma_wait3A_407 : memref<248x256xf32, #tpu.memory_space<vmem>>) dst(%dma_wait3A_403 : memref<248x256xf32, #tpu.memory_space<hbm>>)
    %add3A_408 = arith.constant 1984 : i32
    %add3A_409 = arith.addi %mul3A_2, %add3A_408 : i32
    %dma_start3A_410 = arith.constant 0 : i32
    %dma_start3A_411 = arith.constant 0 : i32
    %dma_start3A_412 = arith.constant 0 : i32
    %dma_start3A_413 = tpu.memref_slice %arg4[%dma_start3A_410, %dma_start3A_411, %dma_start3A_412] : memref<2x248x256xf32, #tpu.memory_space<vmem>> -> memref<1x248x256xf32, #tpu.memory_space<vmem>>
    %dma_start3A_414 = tpu.memref_squeeze %dma_start3A_413 : memref<1x248x256xf32, #tpu.memory_space<vmem>> -> memref<248x256xf32, #tpu.memory_space<vmem>>
    %dma_start3A_415 = arith.constant 0 : i32
    %dma_start3A_416 = tpu.memref_slice %arg2[%add3A_409, %dma_start3A_415] : memref<131072x256xf32, #tpu.memory_space<hbm>> -> memref<248x256xf32, #tpu.memory_space<hbm>>
    %dma_start3A_417 = arith.constant 0 : i32
    %dma_start3A_418 = arith.constant 0 : i32
    %dma_start3A_419 = tpu.memref_slice %arg4[%dma_start3A_410, %dma_start3A_417, %dma_start3A_418] : memref<2x248x256xf32, #tpu.memory_space<vmem>> -> memref<1x248x256xf32, #tpu.memory_space<vmem>>
    %dma_start3A_420 = tpu.memref_squeeze %dma_start3A_419 : memref<1x248x256xf32, #tpu.memory_space<vmem>> -> memref<248x256xf32, #tpu.memory_space<vmem>>
    %dma_start3A_421 = arith.constant 0 : i32
    %dma_start3A_422 = tpu.memref_slice %arg2[%add3A_409, %dma_start3A_421] : memref<131072x256xf32, #tpu.memory_space<hbm>> -> memref<248x256xf32, #tpu.memory_space<hbm>>
    tpu.enqueue_dma source(%dma_start3A_422 : memref<248x256xf32, #tpu.memory_space<hbm>>) target(%dma_start3A_420 : memref<248x256xf32, #tpu.memory_space<vmem>>) target_semaphore(%arg5 : memref<!tpu.dma_semaphore, #tpu.memory_space<semaphore_mem>>)
    %dma_wait3A_423 = arith.constant 1 : i32
    %dma_wait3A_424 = arith.constant 0 : i32
    %dma_wait3A_425 = arith.constant 0 : i32
    %dma_wait3A_426 = tpu.memref_slice %arg4[%dma_wait3A_423, %dma_wait3A_424, %dma_wait3A_425] : memref<2x248x256xf32, #tpu.memory_space<vmem>> -> memref<1x248x256xf32, #tpu.memory_space<vmem>>
    %dma_wait3A_427 = tpu.memref_squeeze %dma_wait3A_426 : memref<1x248x256xf32, #tpu.memory_space<vmem>> -> memref<248x256xf32, #tpu.memory_space<vmem>>
    %dma_wait3A_428 = arith.constant 0 : i32
    %dma_wait3A_429 = tpu.memref_slice %arg2[%add3A_353, %dma_wait3A_428] : memref<131072x256xf32, #tpu.memory_space<hbm>> -> memref<248x256xf32, #tpu.memory_space<hbm>>
    %dma_wait3A_430 = arith.constant 0 : i32
    %dma_wait3A_431 = arith.constant 0 : i32
    %dma_wait3A_432 = tpu.memref_slice %arg4[%dma_wait3A_423, %dma_wait3A_430, %dma_wait3A_431] : memref<2x248x256xf32, #tpu.memory_space<vmem>> -> memref<1x248x256xf32, #tpu.memory_space<vmem>>
    %dma_wait3A_433 = tpu.memref_squeeze %dma_wait3A_432 : memref<1x248x256xf32, #tpu.memory_space<vmem>> -> memref<248x256xf32, #tpu.memory_space<vmem>>
    %dma_wait3A_434 = arith.constant 0 : i32
    %dma_wait3A_435 = tpu.memref_slice %arg2[%add3A_353, %dma_wait3A_434] : memref<131072x256xf32, #tpu.memory_space<hbm>> -> memref<248x256xf32, #tpu.memory_space<hbm>>
    tpu.wait_dma2 semaphore(%arg6 : memref<!tpu.dma_semaphore, #tpu.memory_space<semaphore_mem>>) src(%dma_wait3A_435 : memref<248x256xf32, #tpu.memory_space<hbm>>) dst(%dma_wait3A_433 : memref<248x256xf32, #tpu.memory_space<vmem>>)
    %add3A_436 = arith.constant 1736 : i32
    %add3A_437 = arith.addi %mul3A_2, %add3A_436 : i32
    %dma_start3A_438 = arith.constant 1 : i32
    %dma_start3A_439 = arith.constant 0 : i32
    %dma_start3A_440 = arith.constant 0 : i32
    %dma_start3A_441 = tpu.memref_slice %arg4[%dma_start3A_438, %dma_start3A_439, %dma_start3A_440] : memref<2x248x256xf32, #tpu.memory_space<vmem>> -> memref<1x248x256xf32, #tpu.memory_space<vmem>>
    %dma_start3A_442 = tpu.memref_squeeze %dma_start3A_441 : memref<1x248x256xf32, #tpu.memory_space<vmem>> -> memref<248x256xf32, #tpu.memory_space<vmem>>
    %dma_start3A_443 = arith.constant 0 : i32
    %dma_start3A_444 = tpu.memref_slice %arg3[%add3A_437, %dma_start3A_443] : memref<131072x256xf32, #tpu.memory_space<hbm>> -> memref<248x256xf32, #tpu.memory_space<hbm>>
    %dma_start3A_445 = arith.constant 0 : i32
    %dma_start3A_446 = tpu.memref_slice %arg3[%add3A_437, %dma_start3A_445] : memref<131072x256xf32, #tpu.memory_space<hbm>> -> memref<248x256xf32, #tpu.memory_space<hbm>>
    %dma_start3A_447 = arith.constant 0 : i32
    %dma_start3A_448 = arith.constant 0 : i32
    %dma_start3A_449 = tpu.memref_slice %arg4[%dma_start3A_438, %dma_start3A_447, %dma_start3A_448] : memref<2x248x256xf32, #tpu.memory_space<vmem>> -> memref<1x248x256xf32, #tpu.memory_space<vmem>>
    %dma_start3A_450 = tpu.memref_squeeze %dma_start3A_449 : memref<1x248x256xf32, #tpu.memory_space<vmem>> -> memref<248x256xf32, #tpu.memory_space<vmem>>
    tpu.enqueue_dma source(%dma_start3A_450 : memref<248x256xf32, #tpu.memory_space<vmem>>) target(%dma_start3A_446 : memref<248x256xf32, #tpu.memory_space<hbm>>) target_semaphore(%arg8 : memref<!tpu.dma_semaphore, #tpu.memory_space<semaphore_mem>>)
    %dma_wait3A_451 = arith.constant 1 : i32
    %dma_wait3A_452 = arith.constant 0 : i32
    %dma_wait3A_453 = arith.constant 0 : i32
    %dma_wait3A_454 = tpu.memref_slice %arg4[%dma_wait3A_451, %dma_wait3A_452, %dma_wait3A_453] : memref<2x248x256xf32, #tpu.memory_space<vmem>> -> memref<1x248x256xf32, #tpu.memory_space<vmem>>
    %dma_wait3A_455 = tpu.memref_squeeze %dma_wait3A_454 : memref<1x248x256xf32, #tpu.memory_space<vmem>> -> memref<248x256xf32, #tpu.memory_space<vmem>>
    %dma_wait3A_456 = arith.constant 0 : i32
    %dma_wait3A_457 = tpu.memref_slice %arg3[%add3A_437, %dma_wait3A_456] : memref<131072x256xf32, #tpu.memory_space<hbm>> -> memref<248x256xf32, #tpu.memory_space<hbm>>
    %dma_wait3A_458 = arith.constant 0 : i32
    %dma_wait3A_459 = tpu.memref_slice %arg3[%add3A_437, %dma_wait3A_458] : memref<131072x256xf32, #tpu.memory_space<hbm>> -> memref<248x256xf32, #tpu.memory_space<hbm>>
    %dma_wait3A_460 = arith.constant 0 : i32
    %dma_wait3A_461 = arith.constant 0 : i32
    %dma_wait3A_462 = tpu.memref_slice %arg4[%dma_wait3A_451, %dma_wait3A_460, %dma_wait3A_461] : memref<2x248x256xf32, #tpu.memory_space<vmem>> -> memref<1x248x256xf32, #tpu.memory_space<vmem>>
    %dma_wait3A_463 = tpu.memref_squeeze %dma_wait3A_462 : memref<1x248x256xf32, #tpu.memory_space<vmem>> -> memref<248x256xf32, #tpu.memory_space<vmem>>
    tpu.wait_dma2 semaphore(%arg8 : memref<!tpu.dma_semaphore, #tpu.memory_space<semaphore_mem>>) src(%dma_wait3A_463 : memref<248x256xf32, #tpu.memory_space<vmem>>) dst(%dma_wait3A_459 : memref<248x256xf32, #tpu.memory_space<hbm>>)
    %add3A_464 = arith.constant 2232 : i32
    %add3A_465 = arith.addi %mul3A_2, %add3A_464 : i32
    %dma_start3A_466 = arith.constant 1 : i32
    %dma_start3A_467 = arith.constant 0 : i32
    %dma_start3A_468 = arith.constant 0 : i32
    %dma_start3A_469 = tpu.memref_slice %arg4[%dma_start3A_466, %dma_start3A_467, %dma_start3A_468] : memref<2x248x256xf32, #tpu.memory_space<vmem>> -> memref<1x248x256xf32, #tpu.memory_space<vmem>>
    %dma_start3A_470 = tpu.memref_squeeze %dma_start3A_469 : memref<1x248x256xf32, #tpu.memory_space<vmem>> -> memref<248x256xf32, #tpu.memory_space<vmem>>
    %dma_start3A_471 = arith.constant 0 : i32
    %dma_start3A_472 = tpu.memref_slice %arg2[%add3A_465, %dma_start3A_471] : memref<131072x256xf32, #tpu.memory_space<hbm>> -> memref<248x256xf32, #tpu.memory_space<hbm>>
    %dma_start3A_473 = arith.constant 0 : i32
    %dma_start3A_474 = arith.constant 0 : i32
    %dma_start3A_475 = tpu.memref_slice %arg4[%dma_start3A_466, %dma_start3A_473, %dma_start3A_474] : memref<2x248x256xf32, #tpu.memory_space<vmem>> -> memref<1x248x256xf32, #tpu.memory_space<vmem>>
    %dma_start3A_476 = tpu.memref_squeeze %dma_start3A_475 : memref<1x248x256xf32, #tpu.memory_space<vmem>> -> memref<248x256xf32, #tpu.memory_space<vmem>>
    %dma_start3A_477 = arith.constant 0 : i32
    %dma_start3A_478 = tpu.memref_slice %arg2[%add3A_465, %dma_start3A_477] : memref<131072x256xf32, #tpu.memory_space<hbm>> -> memref<248x256xf32, #tpu.memory_space<hbm>>
    tpu.enqueue_dma source(%dma_start3A_478 : memref<248x256xf32, #tpu.memory_space<hbm>>) target(%dma_start3A_476 : memref<248x256xf32, #tpu.memory_space<vmem>>) target_semaphore(%arg6 : memref<!tpu.dma_semaphore, #tpu.memory_space<semaphore_mem>>)
    %dma_wait3A_479 = arith.constant 0 : i32
    %dma_wait3A_480 = arith.constant 0 : i32
    %dma_wait3A_481 = arith.constant 0 : i32
    %dma_wait3A_482 = tpu.memref_slice %arg4[%dma_wait3A_479, %dma_wait3A_480, %dma_wait3A_481] : memref<2x248x256xf32, #tpu.memory_space<vmem>> -> memref<1x248x256xf32, #tpu.memory_space<vmem>>
    %dma_wait3A_483 = tpu.memref_squeeze %dma_wait3A_482 : memref<1x248x256xf32, #tpu.memory_space<vmem>> -> memref<248x256xf32, #tpu.memory_space<vmem>>
    %dma_wait3A_484 = arith.constant 0 : i32
    %dma_wait3A_485 = tpu.memref_slice %arg2[%add3A_409, %dma_wait3A_484] : memref<131072x256xf32, #tpu.memory_space<hbm>> -> memref<248x256xf32, #tpu.memory_space<hbm>>
    %dma_wait3A_486 = arith.constant 0 : i32
    %dma_wait3A_487 = arith.constant 0 : i32
    %dma_wait3A_488 = tpu.memref_slice %arg4[%dma_wait3A_479, %dma_wait3A_486, %dma_wait3A_487] : memref<2x248x256xf32, #tpu.memory_space<vmem>> -> memref<1x248x256xf32, #tpu.memory_space<vmem>>
    %dma_wait3A_489 = tpu.memref_squeeze %dma_wait3A_488 : memref<1x248x256xf32, #tpu.memory_space<vmem>> -> memref<248x256xf32, #tpu.memory_space<vmem>>
    %dma_wait3A_490 = arith.constant 0 : i32
    %dma_wait3A_491 = tpu.memref_slice %arg2[%add3A_409, %dma_wait3A_490] : memref<131072x256xf32, #tpu.memory_space<hbm>> -> memref<248x256xf32, #tpu.memory_space<hbm>>
    tpu.wait_dma2 semaphore(%arg5 : memref<!tpu.dma_semaphore, #tpu.memory_space<semaphore_mem>>) src(%dma_wait3A_491 : memref<248x256xf32, #tpu.memory_space<hbm>>) dst(%dma_wait3A_489 : memref<248x256xf32, #tpu.memory_space<vmem>>)
    %add3A_492 = arith.constant 1984 : i32
    %add3A_493 = arith.addi %mul3A_2, %add3A_492 : i32
    %dma_start3A_494 = arith.constant 0 : i32
    %dma_start3A_495 = arith.constant 0 : i32
    %dma_start3A_496 = arith.constant 0 : i32
    %dma_start3A_497 = tpu.memref_slice %arg4[%dma_start3A_494, %dma_start3A_495, %dma_start3A_496] : memref<2x248x256xf32, #tpu.memory_space<vmem>> -> memref<1x248x256xf32, #tpu.memory_space<vmem>>
    %dma_start3A_498 = tpu.memref_squeeze %dma_start3A_497 : memref<1x248x256xf32, #tpu.memory_space<vmem>> -> memref<248x256xf32, #tpu.memory_space<vmem>>
    %dma_start3A_499 = arith.constant 0 : i32
    %dma_start3A_500 = tpu.memref_slice %arg3[%add3A_493, %dma_start3A_499] : memref<131072x256xf32, #tpu.memory_space<hbm>> -> memref<248x256xf32, #tpu.memory_space<hbm>>
    %dma_start3A_501 = arith.constant 0 : i32
    %dma_start3A_502 = tpu.memref_slice %arg3[%add3A_493, %dma_start3A_501] : memref<131072x256xf32, #tpu.memory_space<hbm>> -> memref<248x256xf32, #tpu.memory_space<hbm>>
    %dma_start3A_503 = arith.constant 0 : i32
    %dma_start3A_504 = arith.constant 0 : i32
    %dma_start3A_505 = tpu.memref_slice %arg4[%dma_start3A_494, %dma_start3A_503, %dma_start3A_504] : memref<2x248x256xf32, #tpu.memory_space<vmem>> -> memref<1x248x256xf32, #tpu.memory_space<vmem>>
    %dma_start3A_506 = tpu.memref_squeeze %dma_start3A_505 : memref<1x248x256xf32, #tpu.memory_space<vmem>> -> memref<248x256xf32, #tpu.memory_space<vmem>>
    tpu.enqueue_dma source(%dma_start3A_506 : memref<248x256xf32, #tpu.memory_space<vmem>>) target(%dma_start3A_502 : memref<248x256xf32, #tpu.memory_space<hbm>>) target_semaphore(%arg7 : memref<!tpu.dma_semaphore, #tpu.memory_space<semaphore_mem>>)
    %dma_wait3A_507 = arith.constant 0 : i32
    %dma_wait3A_508 = arith.constant 0 : i32
    %dma_wait3A_509 = arith.constant 0 : i32
    %dma_wait3A_510 = tpu.memref_slice %arg4[%dma_wait3A_507, %dma_wait3A_508, %dma_wait3A_509] : memref<2x248x256xf32, #tpu.memory_space<vmem>> -> memref<1x248x256xf32, #tpu.memory_space<vmem>>
    %dma_wait3A_511 = tpu.memref_squeeze %dma_wait3A_510 : memref<1x248x256xf32, #tpu.memory_space<vmem>> -> memref<248x256xf32, #tpu.memory_space<vmem>>
    %dma_wait3A_512 = arith.constant 0 : i32
    %dma_wait3A_513 = tpu.memref_slice %arg3[%add3A_493, %dma_wait3A_512] : memref<131072x256xf32, #tpu.memory_space<hbm>> -> memref<248x256xf32, #tpu.memory_space<hbm>>
    %dma_wait3A_514 = arith.constant 0 : i32
    %dma_wait3A_515 = tpu.memref_slice %arg3[%add3A_493, %dma_wait3A_514] : memref<131072x256xf32, #tpu.memory_space<hbm>> -> memref<248x256xf32, #tpu.memory_space<hbm>>
    %dma_wait3A_516 = arith.constant 0 : i32
    %dma_wait3A_517 = arith.constant 0 : i32
    %dma_wait3A_518 = tpu.memref_slice %arg4[%dma_wait3A_507, %dma_wait3A_516, %dma_wait3A_517] : memref<2x248x256xf32, #tpu.memory_space<vmem>> -> memref<1x248x256xf32, #tpu.memory_space<vmem>>
    %dma_wait3A_519 = tpu.memref_squeeze %dma_wait3A_518 : memref<1x248x256xf32, #tpu.memory_space<vmem>> -> memref<248x256xf32, #tpu.memory_space<vmem>>
    tpu.wait_dma2 semaphore(%arg7 : memref<!tpu.dma_semaphore, #tpu.memory_space<semaphore_mem>>) src(%dma_wait3A_519 : memref<248x256xf32, #tpu.memory_space<vmem>>) dst(%dma_wait3A_515 : memref<248x256xf32, #tpu.memory_space<hbm>>)
    %add3A_520 = arith.constant 2480 : i32
    %add3A_521 = arith.addi %mul3A_2, %add3A_520 : i32
    %dma_start3A_522 = arith.constant 0 : i32
    %dma_start3A_523 = arith.constant 0 : i32
    %dma_start3A_524 = arith.constant 0 : i32
    %dma_start3A_525 = tpu.memref_slice %arg4[%dma_start3A_522, %dma_start3A_523, %dma_start3A_524] : memref<2x248x256xf32, #tpu.memory_space<vmem>> -> memref<1x248x256xf32, #tpu.memory_space<vmem>>
    %dma_start3A_526 = tpu.memref_squeeze %dma_start3A_525 : memref<1x248x256xf32, #tpu.memory_space<vmem>> -> memref<248x256xf32, #tpu.memory_space<vmem>>
    %dma_start3A_527 = arith.constant 0 : i32
    %dma_start3A_528 = tpu.memref_slice %arg2[%add3A_521, %dma_start3A_527] : memref<131072x256xf32, #tpu.memory_space<hbm>> -> memref<248x256xf32, #tpu.memory_space<hbm>>
    %dma_start3A_529 = arith.constant 0 : i32
    %dma_start3A_530 = arith.constant 0 : i32
    %dma_start3A_531 = tpu.memref_slice %arg4[%dma_start3A_522, %dma_start3A_529, %dma_start3A_530] : memref<2x248x256xf32, #tpu.memory_space<vmem>> -> memref<1x248x256xf32, #tpu.memory_space<vmem>>
    %dma_start3A_532 = tpu.memref_squeeze %dma_start3A_531 : memref<1x248x256xf32, #tpu.memory_space<vmem>> -> memref<248x256xf32, #tpu.memory_space<vmem>>
    %dma_start3A_533 = arith.constant 0 : i32
    %dma_start3A_534 = tpu.memref_slice %arg2[%add3A_521, %dma_start3A_533] : memref<131072x256xf32, #tpu.memory_space<hbm>> -> memref<248x256xf32, #tpu.memory_space<hbm>>
    tpu.enqueue_dma source(%dma_start3A_534 : memref<248x256xf32, #tpu.memory_space<hbm>>) target(%dma_start3A_532 : memref<248x256xf32, #tpu.memory_space<vmem>>) target_semaphore(%arg5 : memref<!tpu.dma_semaphore, #tpu.memory_space<semaphore_mem>>)
    %dma_wait3A_535 = arith.constant 1 : i32
    %dma_wait3A_536 = arith.constant 0 : i32
    %dma_wait3A_537 = arith.constant 0 : i32
    %dma_wait3A_538 = tpu.memref_slice %arg4[%dma_wait3A_535, %dma_wait3A_536, %dma_wait3A_537] : memref<2x248x256xf32, #tpu.memory_space<vmem>> -> memref<1x248x256xf32, #tpu.memory_space<vmem>>
    %dma_wait3A_539 = tpu.memref_squeeze %dma_wait3A_538 : memref<1x248x256xf32, #tpu.memory_space<vmem>> -> memref<248x256xf32, #tpu.memory_space<vmem>>
    %dma_wait3A_540 = arith.constant 0 : i32
    %dma_wait3A_541 = tpu.memref_slice %arg2[%add3A_465, %dma_wait3A_540] : memref<131072x256xf32, #tpu.memory_space<hbm>> -> memref<248x256xf32, #tpu.memory_space<hbm>>
    %dma_wait3A_542 = arith.constant 0 : i32
    %dma_wait3A_543 = arith.constant 0 : i32
    %dma_wait3A_544 = tpu.memref_slice %arg4[%dma_wait3A_535, %dma_wait3A_542, %dma_wait3A_543] : memref<2x248x256xf32, #tpu.memory_space<vmem>> -> memref<1x248x256xf32, #tpu.memory_space<vmem>>
    %dma_wait3A_545 = tpu.memref_squeeze %dma_wait3A_544 : memref<1x248x256xf32, #tpu.memory_space<vmem>> -> memref<248x256xf32, #tpu.memory_space<vmem>>
    %dma_wait3A_546 = arith.constant 0 : i32
    %dma_wait3A_547 = tpu.memref_slice %arg2[%add3A_465, %dma_wait3A_546] : memref<131072x256xf32, #tpu.memory_space<hbm>> -> memref<248x256xf32, #tpu.memory_space<hbm>>
    tpu.wait_dma2 semaphore(%arg6 : memref<!tpu.dma_semaphore, #tpu.memory_space<semaphore_mem>>) src(%dma_wait3A_547 : memref<248x256xf32, #tpu.memory_space<hbm>>) dst(%dma_wait3A_545 : memref<248x256xf32, #tpu.memory_space<vmem>>)
    %add3A_548 = arith.constant 2232 : i32
    %add3A_549 = arith.addi %mul3A_2, %add3A_548 : i32
    %dma_start3A_550 = arith.constant 1 : i32
    %dma_start3A_551 = arith.constant 0 : i32
    %dma_start3A_552 = arith.constant 0 : i32
    %dma_start3A_553 = tpu.memref_slice %arg4[%dma_start3A_550, %dma_start3A_551, %dma_start3A_552] : memref<2x248x256xf32, #tpu.memory_space<vmem>> -> memref<1x248x256xf32, #tpu.memory_space<vmem>>
    %dma_start3A_554 = tpu.memref_squeeze %dma_start3A_553 : memref<1x248x256xf32, #tpu.memory_space<vmem>> -> memref<248x256xf32, #tpu.memory_space<vmem>>
    %dma_start3A_555 = arith.constant 0 : i32
    %dma_start3A_556 = tpu.memref_slice %arg3[%add3A_549, %dma_start3A_555] : memref<131072x256xf32, #tpu.memory_space<hbm>> -> memref<248x256xf32, #tpu.memory_space<hbm>>
    %dma_start3A_557 = arith.constant 0 : i32
    %dma_start3A_558 = tpu.memref_slice %arg3[%add3A_549, %dma_start3A_557] : memref<131072x256xf32, #tpu.memory_space<hbm>> -> memref<248x256xf32, #tpu.memory_space<hbm>>
    %dma_start3A_559 = arith.constant 0 : i32
    %dma_start3A_560 = arith.constant 0 : i32
    %dma_start3A_561 = tpu.memref_slice %arg4[%dma_start3A_550, %dma_start3A_559, %dma_start3A_560] : memref<2x248x256xf32, #tpu.memory_space<vmem>> -> memref<1x248x256xf32, #tpu.memory_space<vmem>>
    %dma_start3A_562 = tpu.memref_squeeze %dma_start3A_561 : memref<1x248x256xf32, #tpu.memory_space<vmem>> -> memref<248x256xf32, #tpu.memory_space<vmem>>
    tpu.enqueue_dma source(%dma_start3A_562 : memref<248x256xf32, #tpu.memory_space<vmem>>) target(%dma_start3A_558 : memref<248x256xf32, #tpu.memory_space<hbm>>) target_semaphore(%arg8 : memref<!tpu.dma_semaphore, #tpu.memory_space<semaphore_mem>>)
    %dma_wait3A_563 = arith.constant 1 : i32
    %dma_wait3A_564 = arith.constant 0 : i32
    %dma_wait3A_565 = arith.constant 0 : i32
    %dma_wait3A_566 = tpu.memref_slice %arg4[%dma_wait3A_563, %dma_wait3A_564, %dma_wait3A_565] : memref<2x248x256xf32, #tpu.memory_space<vmem>> -> memref<1x248x256xf32, #tpu.memory_space<vmem>>
    %dma_wait3A_567 = tpu.memref_squeeze %dma_wait3A_566 : memref<1x248x256xf32, #tpu.memory_space<vmem>> -> memref<248x256xf32, #tpu.memory_space<vmem>>
    %dma_wait3A_568 = arith.constant 0 : i32
    %dma_wait3A_569 = tpu.memref_slice %arg3[%add3A_549, %dma_wait3A_568] : memref<131072x256xf32, #tpu.memory_space<hbm>> -> memref<248x256xf32, #tpu.memory_space<hbm>>
    %dma_wait3A_570 = arith.constant 0 : i32
    %dma_wait3A_571 = tpu.memref_slice %arg3[%add3A_549, %dma_wait3A_570] : memref<131072x256xf32, #tpu.memory_space<hbm>> -> memref<248x256xf32, #tpu.memory_space<hbm>>
    %dma_wait3A_572 = arith.constant 0 : i32
    %dma_wait3A_573 = arith.constant 0 : i32
    %dma_wait3A_574 = tpu.memref_slice %arg4[%dma_wait3A_563, %dma_wait3A_572, %dma_wait3A_573] : memref<2x248x256xf32, #tpu.memory_space<vmem>> -> memref<1x248x256xf32, #tpu.memory_space<vmem>>
    %dma_wait3A_575 = tpu.memref_squeeze %dma_wait3A_574 : memref<1x248x256xf32, #tpu.memory_space<vmem>> -> memref<248x256xf32, #tpu.memory_space<vmem>>
    tpu.wait_dma2 semaphore(%arg8 : memref<!tpu.dma_semaphore, #tpu.memory_space<semaphore_mem>>) src(%dma_wait3A_575 : memref<248x256xf32, #tpu.memory_space<vmem>>) dst(%dma_wait3A_571 : memref<248x256xf32, #tpu.memory_space<hbm>>)
    %add3A_576 = arith.constant 2728 : i32
    %add3A_577 = arith.addi %mul3A_2, %add3A_576 : i32
    %dma_start3A_578 = arith.constant 1 : i32
    %dma_start3A_579 = arith.constant 0 : i32
    %dma_start3A_580 = arith.constant 0 : i32
    %dma_start3A_581 = tpu.memref_slice %arg4[%dma_start3A_578, %dma_start3A_579, %dma_start3A_580] : memref<2x248x256xf32, #tpu.memory_space<vmem>> -> memref<1x248x256xf32, #tpu.memory_space<vmem>>
    %dma_start3A_582 = tpu.memref_squeeze %dma_start3A_581 : memref<1x248x256xf32, #tpu.memory_space<vmem>> -> memref<248x256xf32, #tpu.memory_space<vmem>>
    %dma_start3A_583 = arith.constant 0 : i32
    %dma_start3A_584 = tpu.memref_slice %arg2[%add3A_577, %dma_start3A_583] : memref<131072x256xf32, #tpu.memory_space<hbm>> -> memref<248x256xf32, #tpu.memory_space<hbm>>
    %dma_start3A_585 = arith.constant 0 : i32
    %dma_start3A_586 = arith.constant 0 : i32
    %dma_start3A_587 = tpu.memref_slice %arg4[%dma_start3A_578, %dma_start3A_585, %dma_start3A_586] : memref<2x248x256xf32, #tpu.memory_space<vmem>> -> memref<1x248x256xf32, #tpu.memory_space<vmem>>
    %dma_start3A_588 = tpu.memref_squeeze %dma_start3A_587 : memref<1x248x256xf32, #tpu.memory_space<vmem>> -> memref<248x256xf32, #tpu.memory_space<vmem>>
    %dma_start3A_589 = arith.constant 0 : i32
    %dma_start3A_590 = tpu.memref_slice %arg2[%add3A_577, %dma_start3A_589] : memref<131072x256xf32, #tpu.memory_space<hbm>> -> memref<248x256xf32, #tpu.memory_space<hbm>>
    tpu.enqueue_dma source(%dma_start3A_590 : memref<248x256xf32, #tpu.memory_space<hbm>>) target(%dma_start3A_588 : memref<248x256xf32, #tpu.memory_space<vmem>>) target_semaphore(%arg6 : memref<!tpu.dma_semaphore, #tpu.memory_space<semaphore_mem>>)
    %dma_wait3A_591 = arith.constant 0 : i32
    %dma_wait3A_592 = arith.constant 0 : i32
    %dma_wait3A_593 = arith.constant 0 : i32
    %dma_wait3A_594 = tpu.memref_slice %arg4[%dma_wait3A_591, %dma_wait3A_592, %dma_wait3A_593] : memref<2x248x256xf32, #tpu.memory_space<vmem>> -> memref<1x248x256xf32, #tpu.memory_space<vmem>>
    %dma_wait3A_595 = tpu.memref_squeeze %dma_wait3A_594 : memref<1x248x256xf32, #tpu.memory_space<vmem>> -> memref<248x256xf32, #tpu.memory_space<vmem>>
    %dma_wait3A_596 = arith.constant 0 : i32
    %dma_wait3A_597 = tpu.memref_slice %arg2[%add3A_521, %dma_wait3A_596] : memref<131072x256xf32, #tpu.memory_space<hbm>> -> memref<248x256xf32, #tpu.memory_space<hbm>>
    %dma_wait3A_598 = arith.constant 0 : i32
    %dma_wait3A_599 = arith.constant 0 : i32
    %dma_wait3A_600 = tpu.memref_slice %arg4[%dma_wait3A_591, %dma_wait3A_598, %dma_wait3A_599] : memref<2x248x256xf32, #tpu.memory_space<vmem>> -> memref<1x248x256xf32, #tpu.memory_space<vmem>>
    %dma_wait3A_601 = tpu.memref_squeeze %dma_wait3A_600 : memref<1x248x256xf32, #tpu.memory_space<vmem>> -> memref<248x256xf32, #tpu.memory_space<vmem>>
    %dma_wait3A_602 = arith.constant 0 : i32
    %dma_wait3A_603 = tpu.memref_slice %arg2[%add3A_521, %dma_wait3A_602] : memref<131072x256xf32, #tpu.memory_space<hbm>> -> memref<248x256xf32, #tpu.memory_space<hbm>>
    tpu.wait_dma2 semaphore(%arg5 : memref<!tpu.dma_semaphore, #tpu.memory_space<semaphore_mem>>) src(%dma_wait3A_603 : memref<248x256xf32, #tpu.memory_space<hbm>>) dst(%dma_wait3A_601 : memref<248x256xf32, #tpu.memory_space<vmem>>)
    %add3A_604 = arith.constant 2480 : i32
    %add3A_605 = arith.addi %mul3A_2, %add3A_604 : i32
    %dma_start3A_606 = arith.constant 0 : i32
    %dma_start3A_607 = arith.constant 0 : i32
    %dma_start3A_608 = arith.constant 0 : i32
    %dma_start3A_609 = tpu.memref_slice %arg4[%dma_start3A_606, %dma_start3A_607, %dma_start3A_608] : memref<2x248x256xf32, #tpu.memory_space<vmem>> -> memref<1x248x256xf32, #tpu.memory_space<vmem>>
    %dma_start3A_610 = tpu.memref_squeeze %dma_start3A_609 : memref<1x248x256xf32, #tpu.memory_space<vmem>> -> memref<248x256xf32, #tpu.memory_space<vmem>>
    %dma_start3A_611 = arith.constant 0 : i32
    %dma_start3A_612 = tpu.memref_slice %arg3[%add3A_605, %dma_start3A_611] : memref<131072x256xf32, #tpu.memory_space<hbm>> -> memref<248x256xf32, #tpu.memory_space<hbm>>
    %dma_start3A_613 = arith.constant 0 : i32
    %dma_start3A_614 = tpu.memref_slice %arg3[%add3A_605, %dma_start3A_613] : memref<131072x256xf32, #tpu.memory_space<hbm>> -> memref<248x256xf32, #tpu.memory_space<hbm>>
    %dma_start3A_615 = arith.constant 0 : i32
    %dma_start3A_616 = arith.constant 0 : i32
    %dma_start3A_617 = tpu.memref_slice %arg4[%dma_start3A_606, %dma_start3A_615, %dma_start3A_616] : memref<2x248x256xf32, #tpu.memory_space<vmem>> -> memref<1x248x256xf32, #tpu.memory_space<vmem>>
    %dma_start3A_618 = tpu.memref_squeeze %dma_start3A_617 : memref<1x248x256xf32, #tpu.memory_space<vmem>> -> memref<248x256xf32, #tpu.memory_space<vmem>>
    tpu.enqueue_dma source(%dma_start3A_618 : memref<248x256xf32, #tpu.memory_space<vmem>>) target(%dma_start3A_614 : memref<248x256xf32, #tpu.memory_space<hbm>>) target_semaphore(%arg7 : memref<!tpu.dma_semaphore, #tpu.memory_space<semaphore_mem>>)
    %dma_wait3A_619 = arith.constant 0 : i32
    %dma_wait3A_620 = arith.constant 0 : i32
    %dma_wait3A_621 = arith.constant 0 : i32
    %dma_wait3A_622 = tpu.memref_slice %arg4[%dma_wait3A_619, %dma_wait3A_620, %dma_wait3A_621] : memref<2x248x256xf32, #tpu.memory_space<vmem>> -> memref<1x248x256xf32, #tpu.memory_space<vmem>>
    %dma_wait3A_623 = tpu.memref_squeeze %dma_wait3A_622 : memref<1x248x256xf32, #tpu.memory_space<vmem>> -> memref<248x256xf32, #tpu.memory_space<vmem>>
    %dma_wait3A_624 = arith.constant 0 : i32
    %dma_wait3A_625 = tpu.memref_slice %arg3[%add3A_605, %dma_wait3A_624] : memref<131072x256xf32, #tpu.memory_space<hbm>> -> memref<248x256xf32, #tpu.memory_space<hbm>>
    %dma_wait3A_626 = arith.constant 0 : i32
    %dma_wait3A_627 = tpu.memref_slice %arg3[%add3A_605, %dma_wait3A_626] : memref<131072x256xf32, #tpu.memory_space<hbm>> -> memref<248x256xf32, #tpu.memory_space<hbm>>
    %dma_wait3A_628 = arith.constant 0 : i32
    %dma_wait3A_629 = arith.constant 0 : i32
    %dma_wait3A_630 = tpu.memref_slice %arg4[%dma_wait3A_619, %dma_wait3A_628, %dma_wait3A_629] : memref<2x248x256xf32, #tpu.memory_space<vmem>> -> memref<1x248x256xf32, #tpu.memory_space<vmem>>
    %dma_wait3A_631 = tpu.memref_squeeze %dma_wait3A_630 : memref<1x248x256xf32, #tpu.memory_space<vmem>> -> memref<248x256xf32, #tpu.memory_space<vmem>>
    tpu.wait_dma2 semaphore(%arg7 : memref<!tpu.dma_semaphore, #tpu.memory_space<semaphore_mem>>) src(%dma_wait3A_631 : memref<248x256xf32, #tpu.memory_space<vmem>>) dst(%dma_wait3A_627 : memref<248x256xf32, #tpu.memory_space<hbm>>)
    %add3A_632 = arith.constant 2976 : i32
    %add3A_633 = arith.addi %mul3A_2, %add3A_632 : i32
    %dma_start3A_634 = arith.constant 0 : i32
    %dma_start3A_635 = arith.constant 0 : i32
    %dma_start3A_636 = arith.constant 0 : i32
    %dma_start3A_637 = tpu.memref_slice %arg4[%dma_start3A_634, %dma_start3A_635, %dma_start3A_636] : memref<2x248x256xf32, #tpu.memory_space<vmem>> -> memref<1x248x256xf32, #tpu.memory_space<vmem>>
    %dma_start3A_638 = tpu.memref_squeeze %dma_start3A_637 : memref<1x248x256xf32, #tpu.memory_space<vmem>> -> memref<248x256xf32, #tpu.memory_space<vmem>>
    %dma_start3A_639 = arith.constant 0 : i32
    %dma_start3A_640 = tpu.memref_slice %arg2[%add3A_633, %dma_start3A_639] : memref<131072x256xf32, #tpu.memory_space<hbm>> -> memref<248x256xf32, #tpu.memory_space<hbm>>
    %dma_start3A_641 = arith.constant 0 : i32
    %dma_start3A_642 = arith.constant 0 : i32
    %dma_start3A_643 = tpu.memref_slice %arg4[%dma_start3A_634, %dma_start3A_641, %dma_start3A_642] : memref<2x248x256xf32, #tpu.memory_space<vmem>> -> memref<1x248x256xf32, #tpu.memory_space<vmem>>
    %dma_start3A_644 = tpu.memref_squeeze %dma_start3A_643 : memref<1x248x256xf32, #tpu.memory_space<vmem>> -> memref<248x256xf32, #tpu.memory_space<vmem>>
    %dma_start3A_645 = arith.constant 0 : i32
    %dma_start3A_646 = tpu.memref_slice %arg2[%add3A_633, %dma_start3A_645] : memref<131072x256xf32, #tpu.memory_space<hbm>> -> memref<248x256xf32, #tpu.memory_space<hbm>>
    tpu.enqueue_dma source(%dma_start3A_646 : memref<248x256xf32, #tpu.memory_space<hbm>>) target(%dma_start3A_644 : memref<248x256xf32, #tpu.memory_space<vmem>>) target_semaphore(%arg5 : memref<!tpu.dma_semaphore, #tpu.memory_space<semaphore_mem>>)
    %dma_wait3A_647 = arith.constant 1 : i32
    %dma_wait3A_648 = arith.constant 0 : i32
    %dma_wait3A_649 = arith.constant 0 : i32
    %dma_wait3A_650 = tpu.memref_slice %arg4[%dma_wait3A_647, %dma_wait3A_648, %dma_wait3A_649] : memref<2x248x256xf32, #tpu.memory_space<vmem>> -> memref<1x248x256xf32, #tpu.memory_space<vmem>>
    %dma_wait3A_651 = tpu.memref_squeeze %dma_wait3A_650 : memref<1x248x256xf32, #tpu.memory_space<vmem>> -> memref<248x256xf32, #tpu.memory_space<vmem>>
    %dma_wait3A_652 = arith.constant 0 : i32
    %dma_wait3A_653 = tpu.memref_slice %arg2[%add3A_577, %dma_wait3A_652] : memref<131072x256xf32, #tpu.memory_space<hbm>> -> memref<248x256xf32, #tpu.memory_space<hbm>>
    %dma_wait3A_654 = arith.constant 0 : i32
    %dma_wait3A_655 = arith.constant 0 : i32
    %dma_wait3A_656 = tpu.memref_slice %arg4[%dma_wait3A_647, %dma_wait3A_654, %dma_wait3A_655] : memref<2x248x256xf32, #tpu.memory_space<vmem>> -> memref<1x248x256xf32, #tpu.memory_space<vmem>>
    %dma_wait3A_657 = tpu.memref_squeeze %dma_wait3A_656 : memref<1x248x256xf32, #tpu.memory_space<vmem>> -> memref<248x256xf32, #tpu.memory_space<vmem>>
    %dma_wait3A_658 = arith.constant 0 : i32
    %dma_wait3A_659 = tpu.memref_slice %arg2[%add3A_577, %dma_wait3A_658] : memref<131072x256xf32, #tpu.memory_space<hbm>> -> memref<248x256xf32, #tpu.memory_space<hbm>>
    tpu.wait_dma2 semaphore(%arg6 : memref<!tpu.dma_semaphore, #tpu.memory_space<semaphore_mem>>) src(%dma_wait3A_659 : memref<248x256xf32, #tpu.memory_space<hbm>>) dst(%dma_wait3A_657 : memref<248x256xf32, #tpu.memory_space<vmem>>)
    %add3A_660 = arith.constant 2728 : i32
    %add3A_661 = arith.addi %mul3A_2, %add3A_660 : i32
    %dma_start3A_662 = arith.constant 1 : i32
    %dma_start3A_663 = arith.constant 0 : i32
    %dma_start3A_664 = arith.constant 0 : i32
    %dma_start3A_665 = tpu.memref_slice %arg4[%dma_start3A_662, %dma_start3A_663, %dma_start3A_664] : memref<2x248x256xf32, #tpu.memory_space<vmem>> -> memref<1x248x256xf32, #tpu.memory_space<vmem>>
    %dma_start3A_666 = tpu.memref_squeeze %dma_start3A_665 : memref<1x248x256xf32, #tpu.memory_space<vmem>> -> memref<248x256xf32, #tpu.memory_space<vmem>>
    %dma_start3A_667 = arith.constant 0 : i32
    %dma_start3A_668 = tpu.memref_slice %arg3[%add3A_661, %dma_start3A_667] : memref<131072x256xf32, #tpu.memory_space<hbm>> -> memref<248x256xf32, #tpu.memory_space<hbm>>
    %dma_start3A_669 = arith.constant 0 : i32
    %dma_start3A_670 = tpu.memref_slice %arg3[%add3A_661, %dma_start3A_669] : memref<131072x256xf32, #tpu.memory_space<hbm>> -> memref<248x256xf32, #tpu.memory_space<hbm>>
    %dma_start3A_671 = arith.constant 0 : i32
    %dma_start3A_672 = arith.constant 0 : i32
    %dma_start3A_673 = tpu.memref_slice %arg4[%dma_start3A_662, %dma_start3A_671, %dma_start3A_672] : memref<2x248x256xf32, #tpu.memory_space<vmem>> -> memref<1x248x256xf32, #tpu.memory_space<vmem>>
    %dma_start3A_674 = tpu.memref_squeeze %dma_start3A_673 : memref<1x248x256xf32, #tpu.memory_space<vmem>> -> memref<248x256xf32, #tpu.memory_space<vmem>>
    tpu.enqueue_dma source(%dma_start3A_674 : memref<248x256xf32, #tpu.memory_space<vmem>>) target(%dma_start3A_670 : memref<248x256xf32, #tpu.memory_space<hbm>>) target_semaphore(%arg8 : memref<!tpu.dma_semaphore, #tpu.memory_space<semaphore_mem>>)
    %dma_wait3A_675 = arith.constant 1 : i32
    %dma_wait3A_676 = arith.constant 0 : i32
    %dma_wait3A_677 = arith.constant 0 : i32
    %dma_wait3A_678 = tpu.memref_slice %arg4[%dma_wait3A_675, %dma_wait3A_676, %dma_wait3A_677] : memref<2x248x256xf32, #tpu.memory_space<vmem>> -> memref<1x248x256xf32, #tpu.memory_space<vmem>>
    %dma_wait3A_679 = tpu.memref_squeeze %dma_wait3A_678 : memref<1x248x256xf32, #tpu.memory_space<vmem>> -> memref<248x256xf32, #tpu.memory_space<vmem>>
    %dma_wait3A_680 = arith.constant 0 : i32
    %dma_wait3A_681 = tpu.memref_slice %arg3[%add3A_661, %dma_wait3A_680] : memref<131072x256xf32, #tpu.memory_space<hbm>> -> memref<248x256xf32, #tpu.memory_space<hbm>>
    %dma_wait3A_682 = arith.constant 0 : i32
    %dma_wait3A_683 = tpu.memref_slice %arg3[%add3A_661, %dma_wait3A_682] : memref<131072x256xf32, #tpu.memory_space<hbm>> -> memref<248x256xf32, #tpu.memory_space<hbm>>
    %dma_wait3A_684 = arith.constant 0 : i32
    %dma_wait3A_685 = arith.constant 0 : i32
    %dma_wait3A_686 = tpu.memref_slice %arg4[%dma_wait3A_675, %dma_wait3A_684, %dma_wait3A_685] : memref<2x248x256xf32, #tpu.memory_space<vmem>> -> memref<1x248x256xf32, #tpu.memory_space<vmem>>
    %dma_wait3A_687 = tpu.memref_squeeze %dma_wait3A_686 : memref<1x248x256xf32, #tpu.memory_space<vmem>> -> memref<248x256xf32, #tpu.memory_space<vmem>>
    tpu.wait_dma2 semaphore(%arg8 : memref<!tpu.dma_semaphore, #tpu.memory_space<semaphore_mem>>) src(%dma_wait3A_687 : memref<248x256xf32, #tpu.memory_space<vmem>>) dst(%dma_wait3A_683 : memref<248x256xf32, #tpu.memory_space<hbm>>)
    %add3A_688 = arith.constant 3224 : i32
    %add3A_689 = arith.addi %mul3A_2, %add3A_688 : i32
    %dma_start3A_690 = arith.constant 1 : i32
    %dma_start3A_691 = arith.constant 0 : i32
    %dma_start3A_692 = arith.constant 0 : i32
    %dma_start3A_693 = tpu.memref_slice %arg4[%dma_start3A_690, %dma_start3A_691, %dma_start3A_692] : memref<2x248x256xf32, #tpu.memory_space<vmem>> -> memref<1x248x256xf32, #tpu.memory_space<vmem>>
    %dma_start3A_694 = tpu.memref_squeeze %dma_start3A_693 : memref<1x248x256xf32, #tpu.memory_space<vmem>> -> memref<248x256xf32, #tpu.memory_space<vmem>>
    %dma_start3A_695 = arith.constant 0 : i32
    %dma_start3A_696 = tpu.memref_slice %arg2[%add3A_689, %dma_start3A_695] : memref<131072x256xf32, #tpu.memory_space<hbm>> -> memref<248x256xf32, #tpu.memory_space<hbm>>
    %dma_start3A_697 = arith.constant 0 : i32
    %dma_start3A_698 = arith.constant 0 : i32
    %dma_start3A_699 = tpu.memref_slice %arg4[%dma_start3A_690, %dma_start3A_697, %dma_start3A_698] : memref<2x248x256xf32, #tpu.memory_space<vmem>> -> memref<1x248x256xf32, #tpu.memory_space<vmem>>
    %dma_start3A_700 = tpu.memref_squeeze %dma_start3A_699 : memref<1x248x256xf32, #tpu.memory_space<vmem>> -> memref<248x256xf32, #tpu.memory_space<vmem>>
    %dma_start3A_701 = arith.constant 0 : i32
    %dma_start3A_702 = tpu.memref_slice %arg2[%add3A_689, %dma_start3A_701] : memref<131072x256xf32, #tpu.memory_space<hbm>> -> memref<248x256xf32, #tpu.memory_space<hbm>>
    tpu.enqueue_dma source(%dma_start3A_702 : memref<248x256xf32, #tpu.memory_space<hbm>>) target(%dma_start3A_700 : memref<248x256xf32, #tpu.memory_space<vmem>>) target_semaphore(%arg6 : memref<!tpu.dma_semaphore, #tpu.memory_space<semaphore_mem>>)
    %dma_wait3A_703 = arith.constant 0 : i32
    %dma_wait3A_704 = arith.constant 0 : i32
    %dma_wait3A_705 = arith.constant 0 : i32
    %dma_wait3A_706 = tpu.memref_slice %arg4[%dma_wait3A_703, %dma_wait3A_704, %dma_wait3A_705] : memref<2x248x256xf32, #tpu.memory_space<vmem>> -> memref<1x248x256xf32, #tpu.memory_space<vmem>>
    %dma_wait3A_707 = tpu.memref_squeeze %dma_wait3A_706 : memref<1x248x256xf32, #tpu.memory_space<vmem>> -> memref<248x256xf32, #tpu.memory_space<vmem>>
    %dma_wait3A_708 = arith.constant 0 : i32
    %dma_wait3A_709 = tpu.memref_slice %arg2[%add3A_633, %dma_wait3A_708] : memref<131072x256xf32, #tpu.memory_space<hbm>> -> memref<248x256xf32, #tpu.memory_space<hbm>>
    %dma_wait3A_710 = arith.constant 0 : i32
    %dma_wait3A_711 = arith.constant 0 : i32
    %dma_wait3A_712 = tpu.memref_slice %arg4[%dma_wait3A_703, %dma_wait3A_710, %dma_wait3A_711] : memref<2x248x256xf32, #tpu.memory_space<vmem>> -> memref<1x248x256xf32, #tpu.memory_space<vmem>>
    %dma_wait3A_713 = tpu.memref_squeeze %dma_wait3A_712 : memref<1x248x256xf32, #tpu.memory_space<vmem>> -> memref<248x256xf32, #tpu.memory_space<vmem>>
    %dma_wait3A_714 = arith.constant 0 : i32
    %dma_wait3A_715 = tpu.memref_slice %arg2[%add3A_633, %dma_wait3A_714] : memref<131072x256xf32, #tpu.memory_space<hbm>> -> memref<248x256xf32, #tpu.memory_space<hbm>>
    tpu.wait_dma2 semaphore(%arg5 : memref<!tpu.dma_semaphore, #tpu.memory_space<semaphore_mem>>) src(%dma_wait3A_715 : memref<248x256xf32, #tpu.memory_space<hbm>>) dst(%dma_wait3A_713 : memref<248x256xf32, #tpu.memory_space<vmem>>)
    %add3A_716 = arith.constant 2976 : i32
    %add3A_717 = arith.addi %mul3A_2, %add3A_716 : i32
    %dma_start3A_718 = arith.constant 0 : i32
    %dma_start3A_719 = arith.constant 0 : i32
    %dma_start3A_720 = arith.constant 0 : i32
    %dma_start3A_721 = tpu.memref_slice %arg4[%dma_start3A_718, %dma_start3A_719, %dma_start3A_720] : memref<2x248x256xf32, #tpu.memory_space<vmem>> -> memref<1x248x256xf32, #tpu.memory_space<vmem>>
    %dma_start3A_722 = tpu.memref_squeeze %dma_start3A_721 : memref<1x248x256xf32, #tpu.memory_space<vmem>> -> memref<248x256xf32, #tpu.memory_space<vmem>>
    %dma_start3A_723 = arith.constant 0 : i32
    %dma_start3A_724 = tpu.memref_slice %arg3[%add3A_717, %dma_start3A_723] : memref<131072x256xf32, #tpu.memory_space<hbm>> -> memref<248x256xf32, #tpu.memory_space<hbm>>
    %dma_start3A_725 = arith.constant 0 : i32
    %dma_start3A_726 = tpu.memref_slice %arg3[%add3A_717, %dma_start3A_725] : memref<131072x256xf32, #tpu.memory_space<hbm>> -> memref<248x256xf32, #tpu.memory_space<hbm>>
    %dma_start3A_727 = arith.constant 0 : i32
    %dma_start3A_728 = arith.constant 0 : i32
    %dma_start3A_729 = tpu.memref_slice %arg4[%dma_start3A_718, %dma_start3A_727, %dma_start3A_728] : memref<2x248x256xf32, #tpu.memory_space<vmem>> -> memref<1x248x256xf32, #tpu.memory_space<vmem>>
    %dma_start3A_730 = tpu.memref_squeeze %dma_start3A_729 : memref<1x248x256xf32, #tpu.memory_space<vmem>> -> memref<248x256xf32, #tpu.memory_space<vmem>>
    tpu.enqueue_dma source(%dma_start3A_730 : memref<248x256xf32, #tpu.memory_space<vmem>>) target(%dma_start3A_726 : memref<248x256xf32, #tpu.memory_space<hbm>>) target_semaphore(%arg7 : memref<!tpu.dma_semaphore, #tpu.memory_space<semaphore_mem>>)
    %dma_wait3A_731 = arith.constant 0 : i32
    %dma_wait3A_732 = arith.constant 0 : i32
    %dma_wait3A_733 = arith.constant 0 : i32
    %dma_wait3A_734 = tpu.memref_slice %arg4[%dma_wait3A_731, %dma_wait3A_732, %dma_wait3A_733] : memref<2x248x256xf32, #tpu.memory_space<vmem>> -> memref<1x248x256xf32, #tpu.memory_space<vmem>>
    %dma_wait3A_735 = tpu.memref_squeeze %dma_wait3A_734 : memref<1x248x256xf32, #tpu.memory_space<vmem>> -> memref<248x256xf32, #tpu.memory_space<vmem>>
    %dma_wait3A_736 = arith.constant 0 : i32
    %dma_wait3A_737 = tpu.memref_slice %arg3[%add3A_717, %dma_wait3A_736] : memref<131072x256xf32, #tpu.memory_space<hbm>> -> memref<248x256xf32, #tpu.memory_space<hbm>>
    %dma_wait3A_738 = arith.constant 0 : i32
    %dma_wait3A_739 = tpu.memref_slice %arg3[%add3A_717, %dma_wait3A_738] : memref<131072x256xf32, #tpu.memory_space<hbm>> -> memref<248x256xf32, #tpu.memory_space<hbm>>
    %dma_wait3A_740 = arith.constant 0 : i32
    %dma_wait3A_741 = arith.constant 0 : i32
    %dma_wait3A_742 = tpu.memref_slice %arg4[%dma_wait3A_731, %dma_wait3A_740, %dma_wait3A_741] : memref<2x248x256xf32, #tpu.memory_space<vmem>> -> memref<1x248x256xf32, #tpu.memory_space<vmem>>
    %dma_wait3A_743 = tpu.memref_squeeze %dma_wait3A_742 : memref<1x248x256xf32, #tpu.memory_space<vmem>> -> memref<248x256xf32, #tpu.memory_space<vmem>>
    tpu.wait_dma2 semaphore(%arg7 : memref<!tpu.dma_semaphore, #tpu.memory_space<semaphore_mem>>) src(%dma_wait3A_743 : memref<248x256xf32, #tpu.memory_space<vmem>>) dst(%dma_wait3A_739 : memref<248x256xf32, #tpu.memory_space<hbm>>)
    %add3A_744 = arith.constant 3472 : i32
    %add3A_745 = arith.addi %mul3A_2, %add3A_744 : i32
    %dma_start3A_746 = arith.constant 0 : i32
    %dma_start3A_747 = arith.constant 0 : i32
    %dma_start3A_748 = arith.constant 0 : i32
    %dma_start3A_749 = tpu.memref_slice %arg4[%dma_start3A_746, %dma_start3A_747, %dma_start3A_748] : memref<2x248x256xf32, #tpu.memory_space<vmem>> -> memref<1x248x256xf32, #tpu.memory_space<vmem>>
    %dma_start3A_750 = tpu.memref_squeeze %dma_start3A_749 : memref<1x248x256xf32, #tpu.memory_space<vmem>> -> memref<248x256xf32, #tpu.memory_space<vmem>>
    %dma_start3A_751 = arith.constant 0 : i32
    %dma_start3A_752 = tpu.memref_slice %arg2[%add3A_745, %dma_start3A_751] : memref<131072x256xf32, #tpu.memory_space<hbm>> -> memref<248x256xf32, #tpu.memory_space<hbm>>
    %dma_start3A_753 = arith.constant 0 : i32
    %dma_start3A_754 = arith.constant 0 : i32
    %dma_start3A_755 = tpu.memref_slice %arg4[%dma_start3A_746, %dma_start3A_753, %dma_start3A_754] : memref<2x248x256xf32, #tpu.memory_space<vmem>> -> memref<1x248x256xf32, #tpu.memory_space<vmem>>
    %dma_start3A_756 = tpu.memref_squeeze %dma_start3A_755 : memref<1x248x256xf32, #tpu.memory_space<vmem>> -> memref<248x256xf32, #tpu.memory_space<vmem>>
    %dma_start3A_757 = arith.constant 0 : i32
    %dma_start3A_758 = tpu.memref_slice %arg2[%add3A_745, %dma_start3A_757] : memref<131072x256xf32, #tpu.memory_space<hbm>> -> memref<248x256xf32, #tpu.memory_space<hbm>>
    tpu.enqueue_dma source(%dma_start3A_758 : memref<248x256xf32, #tpu.memory_space<hbm>>) target(%dma_start3A_756 : memref<248x256xf32, #tpu.memory_space<vmem>>) target_semaphore(%arg5 : memref<!tpu.dma_semaphore, #tpu.memory_space<semaphore_mem>>)
    %dma_wait3A_759 = arith.constant 1 : i32
    %dma_wait3A_760 = arith.constant 0 : i32
    %dma_wait3A_761 = arith.constant 0 : i32
    %dma_wait3A_762 = tpu.memref_slice %arg4[%dma_wait3A_759, %dma_wait3A_760, %dma_wait3A_761] : memref<2x248x256xf32, #tpu.memory_space<vmem>> -> memref<1x248x256xf32, #tpu.memory_space<vmem>>
    %dma_wait3A_763 = tpu.memref_squeeze %dma_wait3A_762 : memref<1x248x256xf32, #tpu.memory_space<vmem>> -> memref<248x256xf32, #tpu.memory_space<vmem>>
    %dma_wait3A_764 = arith.constant 0 : i32
    %dma_wait3A_765 = tpu.memref_slice %arg2[%add3A_689, %dma_wait3A_764] : memref<131072x256xf32, #tpu.memory_space<hbm>> -> memref<248x256xf32, #tpu.memory_space<hbm>>
    %dma_wait3A_766 = arith.constant 0 : i32
    %dma_wait3A_767 = arith.constant 0 : i32
    %dma_wait3A_768 = tpu.memref_slice %arg4[%dma_wait3A_759, %dma_wait3A_766, %dma_wait3A_767] : memref<2x248x256xf32, #tpu.memory_space<vmem>> -> memref<1x248x256xf32, #tpu.memory_space<vmem>>
    %dma_wait3A_769 = tpu.memref_squeeze %dma_wait3A_768 : memref<1x248x256xf32, #tpu.memory_space<vmem>> -> memref<248x256xf32, #tpu.memory_space<vmem>>
    %dma_wait3A_770 = arith.constant 0 : i32
    %dma_wait3A_771 = tpu.memref_slice %arg2[%add3A_689, %dma_wait3A_770] : memref<131072x256xf32, #tpu.memory_space<hbm>> -> memref<248x256xf32, #tpu.memory_space<hbm>>
    tpu.wait_dma2 semaphore(%arg6 : memref<!tpu.dma_semaphore, #tpu.memory_space<semaphore_mem>>) src(%dma_wait3A_771 : memref<248x256xf32, #tpu.memory_space<hbm>>) dst(%dma_wait3A_769 : memref<248x256xf32, #tpu.memory_space<vmem>>)
    %add3A_772 = arith.constant 3224 : i32
    %add3A_773 = arith.addi %mul3A_2, %add3A_772 : i32
    %dma_start3A_774 = arith.constant 1 : i32
    %dma_start3A_775 = arith.constant 0 : i32
    %dma_start3A_776 = arith.constant 0 : i32
    %dma_start3A_777 = tpu.memref_slice %arg4[%dma_start3A_774, %dma_start3A_775, %dma_start3A_776] : memref<2x248x256xf32, #tpu.memory_space<vmem>> -> memref<1x248x256xf32, #tpu.memory_space<vmem>>
    %dma_start3A_778 = tpu.memref_squeeze %dma_start3A_777 : memref<1x248x256xf32, #tpu.memory_space<vmem>> -> memref<248x256xf32, #tpu.memory_space<vmem>>
    %dma_start3A_779 = arith.constant 0 : i32
    %dma_start3A_780 = tpu.memref_slice %arg3[%add3A_773, %dma_start3A_779] : memref<131072x256xf32, #tpu.memory_space<hbm>> -> memref<248x256xf32, #tpu.memory_space<hbm>>
    %dma_start3A_781 = arith.constant 0 : i32
    %dma_start3A_782 = tpu.memref_slice %arg3[%add3A_773, %dma_start3A_781] : memref<131072x256xf32, #tpu.memory_space<hbm>> -> memref<248x256xf32, #tpu.memory_space<hbm>>
    %dma_start3A_783 = arith.constant 0 : i32
    %dma_start3A_784 = arith.constant 0 : i32
    %dma_start3A_785 = tpu.memref_slice %arg4[%dma_start3A_774, %dma_start3A_783, %dma_start3A_784] : memref<2x248x256xf32, #tpu.memory_space<vmem>> -> memref<1x248x256xf32, #tpu.memory_space<vmem>>
    %dma_start3A_786 = tpu.memref_squeeze %dma_start3A_785 : memref<1x248x256xf32, #tpu.memory_space<vmem>> -> memref<248x256xf32, #tpu.memory_space<vmem>>
    tpu.enqueue_dma source(%dma_start3A_786 : memref<248x256xf32, #tpu.memory_space<vmem>>) target(%dma_start3A_782 : memref<248x256xf32, #tpu.memory_space<hbm>>) target_semaphore(%arg8 : memref<!tpu.dma_semaphore, #tpu.memory_space<semaphore_mem>>)
    %dma_wait3A_787 = arith.constant 1 : i32
    %dma_wait3A_788 = arith.constant 0 : i32
    %dma_wait3A_789 = arith.constant 0 : i32
    %dma_wait3A_790 = tpu.memref_slice %arg4[%dma_wait3A_787, %dma_wait3A_788, %dma_wait3A_789] : memref<2x248x256xf32, #tpu.memory_space<vmem>> -> memref<1x248x256xf32, #tpu.memory_space<vmem>>
    %dma_wait3A_791 = tpu.memref_squeeze %dma_wait3A_790 : memref<1x248x256xf32, #tpu.memory_space<vmem>> -> memref<248x256xf32, #tpu.memory_space<vmem>>
    %dma_wait3A_792 = arith.constant 0 : i32
    %dma_wait3A_793 = tpu.memref_slice %arg3[%add3A_773, %dma_wait3A_792] : memref<131072x256xf32, #tpu.memory_space<hbm>> -> memref<248x256xf32, #tpu.memory_space<hbm>>
    %dma_wait3A_794 = arith.constant 0 : i32
    %dma_wait3A_795 = tpu.memref_slice %arg3[%add3A_773, %dma_wait3A_794] : memref<131072x256xf32, #tpu.memory_space<hbm>> -> memref<248x256xf32, #tpu.memory_space<hbm>>
    %dma_wait3A_796 = arith.constant 0 : i32
    %dma_wait3A_797 = arith.constant 0 : i32
    %dma_wait3A_798 = tpu.memref_slice %arg4[%dma_wait3A_787, %dma_wait3A_796, %dma_wait3A_797] : memref<2x248x256xf32, #tpu.memory_space<vmem>> -> memref<1x248x256xf32, #tpu.memory_space<vmem>>
    %dma_wait3A_799 = tpu.memref_squeeze %dma_wait3A_798 : memref<1x248x256xf32, #tpu.memory_space<vmem>> -> memref<248x256xf32, #tpu.memory_space<vmem>>
    tpu.wait_dma2 semaphore(%arg8 : memref<!tpu.dma_semaphore, #tpu.memory_space<semaphore_mem>>) src(%dma_wait3A_799 : memref<248x256xf32, #tpu.memory_space<vmem>>) dst(%dma_wait3A_795 : memref<248x256xf32, #tpu.memory_space<hbm>>)
    %add3A_800 = arith.constant 3720 : i32
    %add3A_801 = arith.addi %mul3A_2, %add3A_800 : i32
    %dma_start3A_802 = arith.constant 1 : i32
    %dma_start3A_803 = arith.constant 0 : i32
    %dma_start3A_804 = arith.constant 0 : i32
    %dma_start3A_805 = tpu.memref_slice %arg4[%dma_start3A_802, %dma_start3A_803, %dma_start3A_804] : memref<2x248x256xf32, #tpu.memory_space<vmem>> -> memref<1x248x256xf32, #tpu.memory_space<vmem>>
    %dma_start3A_806 = tpu.memref_squeeze %dma_start3A_805 : memref<1x248x256xf32, #tpu.memory_space<vmem>> -> memref<248x256xf32, #tpu.memory_space<vmem>>
    %dma_start3A_807 = arith.constant 0 : i32
    %dma_start3A_808 = tpu.memref_slice %arg2[%add3A_801, %dma_start3A_807] : memref<131072x256xf32, #tpu.memory_space<hbm>> -> memref<248x256xf32, #tpu.memory_space<hbm>>
    %dma_start3A_809 = arith.constant 0 : i32
    %dma_start3A_810 = arith.constant 0 : i32
    %dma_start3A_811 = tpu.memref_slice %arg4[%dma_start3A_802, %dma_start3A_809, %dma_start3A_810] : memref<2x248x256xf32, #tpu.memory_space<vmem>> -> memref<1x248x256xf32, #tpu.memory_space<vmem>>
    %dma_start3A_812 = tpu.memref_squeeze %dma_start3A_811 : memref<1x248x256xf32, #tpu.memory_space<vmem>> -> memref<248x256xf32, #tpu.memory_space<vmem>>
    %dma_start3A_813 = arith.constant 0 : i32
    %dma_start3A_814 = tpu.memref_slice %arg2[%add3A_801, %dma_start3A_813] : memref<131072x256xf32, #tpu.memory_space<hbm>> -> memref<248x256xf32, #tpu.memory_space<hbm>>
    tpu.enqueue_dma source(%dma_start3A_814 : memref<248x256xf32, #tpu.memory_space<hbm>>) target(%dma_start3A_812 : memref<248x256xf32, #tpu.memory_space<vmem>>) target_semaphore(%arg6 : memref<!tpu.dma_semaphore, #tpu.memory_space<semaphore_mem>>)
    %dma_wait3A_815 = arith.constant 0 : i32
    %dma_wait3A_816 = arith.constant 0 : i32
    %dma_wait3A_817 = arith.constant 0 : i32
    %dma_wait3A_818 = tpu.memref_slice %arg4[%dma_wait3A_815, %dma_wait3A_816, %dma_wait3A_817] : memref<2x248x256xf32, #tpu.memory_space<vmem>> -> memref<1x248x256xf32, #tpu.memory_space<vmem>>
    %dma_wait3A_819 = tpu.memref_squeeze %dma_wait3A_818 : memref<1x248x256xf32, #tpu.memory_space<vmem>> -> memref<248x256xf32, #tpu.memory_space<vmem>>
    %dma_wait3A_820 = arith.constant 0 : i32
    %dma_wait3A_821 = tpu.memref_slice %arg2[%add3A_745, %dma_wait3A_820] : memref<131072x256xf32, #tpu.memory_space<hbm>> -> memref<248x256xf32, #tpu.memory_space<hbm>>
    %dma_wait3A_822 = arith.constant 0 : i32
    %dma_wait3A_823 = arith.constant 0 : i32
    %dma_wait3A_824 = tpu.memref_slice %arg4[%dma_wait3A_815, %dma_wait3A_822, %dma_wait3A_823] : memref<2x248x256xf32, #tpu.memory_space<vmem>> -> memref<1x248x256xf32, #tpu.memory_space<vmem>>
    %dma_wait3A_825 = tpu.memref_squeeze %dma_wait3A_824 : memref<1x248x256xf32, #tpu.memory_space<vmem>> -> memref<248x256xf32, #tpu.memory_space<vmem>>
    %dma_wait3A_826 = arith.constant 0 : i32
    %dma_wait3A_827 = tpu.memref_slice %arg2[%add3A_745, %dma_wait3A_826] : memref<131072x256xf32, #tpu.memory_space<hbm>> -> memref<248x256xf32, #tpu.memory_space<hbm>>
    tpu.wait_dma2 semaphore(%arg5 : memref<!tpu.dma_semaphore, #tpu.memory_space<semaphore_mem>>) src(%dma_wait3A_827 : memref<248x256xf32, #tpu.memory_space<hbm>>) dst(%dma_wait3A_825 : memref<248x256xf32, #tpu.memory_space<vmem>>)
    %add3A_828 = arith.constant 3472 : i32
    %add3A_829 = arith.addi %mul3A_2, %add3A_828 : i32
    %dma_start3A_830 = arith.constant 0 : i32
    %dma_start3A_831 = arith.constant 0 : i32
    %dma_start3A_832 = arith.constant 0 : i32
    %dma_start3A_833 = tpu.memref_slice %arg4[%dma_start3A_830, %dma_start3A_831, %dma_start3A_832] : memref<2x248x256xf32, #tpu.memory_space<vmem>> -> memref<1x248x256xf32, #tpu.memory_space<vmem>>
    %dma_start3A_834 = tpu.memref_squeeze %dma_start3A_833 : memref<1x248x256xf32, #tpu.memory_space<vmem>> -> memref<248x256xf32, #tpu.memory_space<vmem>>
    %dma_start3A_835 = arith.constant 0 : i32
    %dma_start3A_836 = tpu.memref_slice %arg3[%add3A_829, %dma_start3A_835] : memref<131072x256xf32, #tpu.memory_space<hbm>> -> memref<248x256xf32, #tpu.memory_space<hbm>>
    %dma_start3A_837 = arith.constant 0 : i32
    %dma_start3A_838 = tpu.memref_slice %arg3[%add3A_829, %dma_start3A_837] : memref<131072x256xf32, #tpu.memory_space<hbm>> -> memref<248x256xf32, #tpu.memory_space<hbm>>
    %dma_start3A_839 = arith.constant 0 : i32
    %dma_start3A_840 = arith.constant 0 : i32
    %dma_start3A_841 = tpu.memref_slice %arg4[%dma_start3A_830, %dma_start3A_839, %dma_start3A_840] : memref<2x248x256xf32, #tpu.memory_space<vmem>> -> memref<1x248x256xf32, #tpu.memory_space<vmem>>
    %dma_start3A_842 = tpu.memref_squeeze %dma_start3A_841 : memref<1x248x256xf32, #tpu.memory_space<vmem>> -> memref<248x256xf32, #tpu.memory_space<vmem>>
    tpu.enqueue_dma source(%dma_start3A_842 : memref<248x256xf32, #tpu.memory_space<vmem>>) target(%dma_start3A_838 : memref<248x256xf32, #tpu.memory_space<hbm>>) target_semaphore(%arg7 : memref<!tpu.dma_semaphore, #tpu.memory_space<semaphore_mem>>)
    %dma_wait3A_843 = arith.constant 0 : i32
    %dma_wait3A_844 = arith.constant 0 : i32
    %dma_wait3A_845 = arith.constant 0 : i32
    %dma_wait3A_846 = tpu.memref_slice %arg4[%dma_wait3A_843, %dma_wait3A_844, %dma_wait3A_845] : memref<2x248x256xf32, #tpu.memory_space<vmem>> -> memref<1x248x256xf32, #tpu.memory_space<vmem>>
    %dma_wait3A_847 = tpu.memref_squeeze %dma_wait3A_846 : memref<1x248x256xf32, #tpu.memory_space<vmem>> -> memref<248x256xf32, #tpu.memory_space<vmem>>
    %dma_wait3A_848 = arith.constant 0 : i32
    %dma_wait3A_849 = tpu.memref_slice %arg3[%add3A_829, %dma_wait3A_848] : memref<131072x256xf32, #tpu.memory_space<hbm>> -> memref<248x256xf32, #tpu.memory_space<hbm>>
    %dma_wait3A_850 = arith.constant 0 : i32
    %dma_wait3A_851 = tpu.memref_slice %arg3[%add3A_829, %dma_wait3A_850] : memref<131072x256xf32, #tpu.memory_space<hbm>> -> memref<248x256xf32, #tpu.memory_space<hbm>>
    %dma_wait3A_852 = arith.constant 0 : i32
    %dma_wait3A_853 = arith.constant 0 : i32
    %dma_wait3A_854 = tpu.memref_slice %arg4[%dma_wait3A_843, %dma_wait3A_852, %dma_wait3A_853] : memref<2x248x256xf32, #tpu.memory_space<vmem>> -> memref<1x248x256xf32, #tpu.memory_space<vmem>>
    %dma_wait3A_855 = tpu.memref_squeeze %dma_wait3A_854 : memref<1x248x256xf32, #tpu.memory_space<vmem>> -> memref<248x256xf32, #tpu.memory_space<vmem>>
    tpu.wait_dma2 semaphore(%arg7 : memref<!tpu.dma_semaphore, #tpu.memory_space<semaphore_mem>>) src(%dma_wait3A_855 : memref<248x256xf32, #tpu.memory_space<vmem>>) dst(%dma_wait3A_851 : memref<248x256xf32, #tpu.memory_space<hbm>>)
    %add3A_856 = arith.constant 3968 : i32
    %add3A_857 = arith.addi %mul3A_2, %add3A_856 : i32
    %dma_start3A_858 = arith.constant 0 : i32
    %dma_start3A_859 = arith.constant 0 : i32
    %dma_start3A_860 = arith.constant 0 : i32
    %dma_start3A_861 = tpu.memref_slice %arg4[%dma_start3A_858, %dma_start3A_859, %dma_start3A_860] : memref<2x248x256xf32, #tpu.memory_space<vmem>> -> memref<1x128x256xf32, #tpu.memory_space<vmem>>
    %dma_start3A_862 = tpu.memref_squeeze %dma_start3A_861 : memref<1x128x256xf32, #tpu.memory_space<vmem>> -> memref<128x256xf32, #tpu.memory_space<vmem>>
    %dma_start3A_863 = arith.constant 0 : i32
    %dma_start3A_864 = tpu.memref_slice %arg2[%add3A_857, %dma_start3A_863] : memref<131072x256xf32, #tpu.memory_space<hbm>> -> memref<128x256xf32, #tpu.memory_space<hbm>>
    %dma_start3A_865 = arith.constant 0 : i32
    %dma_start3A_866 = arith.constant 0 : i32
    %dma_start3A_867 = tpu.memref_slice %arg4[%dma_start3A_858, %dma_start3A_865, %dma_start3A_866] : memref<2x248x256xf32, #tpu.memory_space<vmem>> -> memref<1x128x256xf32, #tpu.memory_space<vmem>>
    %dma_start3A_868 = tpu.memref_squeeze %dma_start3A_867 : memref<1x128x256xf32, #tpu.memory_space<vmem>> -> memref<128x256xf32, #tpu.memory_space<vmem>>
    %dma_start3A_869 = arith.constant 0 : i32
    %dma_start3A_870 = tpu.memref_slice %arg2[%add3A_857, %dma_start3A_869] : memref<131072x256xf32, #tpu.memory_space<hbm>> -> memref<128x256xf32, #tpu.memory_space<hbm>>
    tpu.enqueue_dma source(%dma_start3A_870 : memref<128x256xf32, #tpu.memory_space<hbm>>) target(%dma_start3A_868 : memref<128x256xf32, #tpu.memory_space<vmem>>) target_semaphore(%arg5 : memref<!tpu.dma_semaphore, #tpu.memory_space<semaphore_mem>>)
    %dma_wait3A_871 = arith.constant 1 : i32
    %dma_wait3A_872 = arith.constant 0 : i32
    %dma_wait3A_873 = arith.constant 0 : i32
    %dma_wait3A_874 = tpu.memref_slice %arg4[%dma_wait3A_871, %dma_wait3A_872, %dma_wait3A_873] : memref<2x248x256xf32, #tpu.memory_space<vmem>> -> memref<1x248x256xf32, #tpu.memory_space<vmem>>
    %dma_wait3A_875 = tpu.memref_squeeze %dma_wait3A_874 : memref<1x248x256xf32, #tpu.memory_space<vmem>> -> memref<248x256xf32, #tpu.memory_space<vmem>>
    %dma_wait3A_876 = arith.constant 0 : i32
    %dma_wait3A_877 = tpu.memref_slice %arg2[%add3A_801, %dma_wait3A_876] : memref<131072x256xf32, #tpu.memory_space<hbm>> -> memref<248x256xf32, #tpu.memory_space<hbm>>
    %dma_wait3A_878 = arith.constant 0 : i32
    %dma_wait3A_879 = arith.constant 0 : i32
    %dma_wait3A_880 = tpu.memref_slice %arg4[%dma_wait3A_871, %dma_wait3A_878, %dma_wait3A_879] : memref<2x248x256xf32, #tpu.memory_space<vmem>> -> memref<1x248x256xf32, #tpu.memory_space<vmem>>
    %dma_wait3A_881 = tpu.memref_squeeze %dma_wait3A_880 : memref<1x248x256xf32, #tpu.memory_space<vmem>> -> memref<248x256xf32, #tpu.memory_space<vmem>>
    %dma_wait3A_882 = arith.constant 0 : i32
    %dma_wait3A_883 = tpu.memref_slice %arg2[%add3A_801, %dma_wait3A_882] : memref<131072x256xf32, #tpu.memory_space<hbm>> -> memref<248x256xf32, #tpu.memory_space<hbm>>
    tpu.wait_dma2 semaphore(%arg6 : memref<!tpu.dma_semaphore, #tpu.memory_space<semaphore_mem>>) src(%dma_wait3A_883 : memref<248x256xf32, #tpu.memory_space<hbm>>) dst(%dma_wait3A_881 : memref<248x256xf32, #tpu.memory_space<vmem>>)
    %add3A_884 = arith.constant 3720 : i32
    %add3A_885 = arith.addi %mul3A_2, %add3A_884 : i32
    %dma_start3A_886 = arith.constant 1 : i32
    %dma_start3A_887 = arith.constant 0 : i32
    %dma_start3A_888 = arith.constant 0 : i32
    %dma_start3A_889 = tpu.memref_slice %arg4[%dma_start3A_886, %dma_start3A_887, %dma_start3A_888] : memref<2x248x256xf32, #tpu.memory_space<vmem>> -> memref<1x248x256xf32, #tpu.memory_space<vmem>>
    %dma_start3A_890 = tpu.memref_squeeze %dma_start3A_889 : memref<1x248x256xf32, #tpu.memory_space<vmem>> -> memref<248x256xf32, #tpu.memory_space<vmem>>
    %dma_start3A_891 = arith.constant 0 : i32
    %dma_start3A_892 = tpu.memref_slice %arg3[%add3A_885, %dma_start3A_891] : memref<131072x256xf32, #tpu.memory_space<hbm>> -> memref<248x256xf32, #tpu.memory_space<hbm>>
    %dma_start3A_893 = arith.constant 0 : i32
    %dma_start3A_894 = tpu.memref_slice %arg3[%add3A_885, %dma_start3A_893] : memref<131072x256xf32, #tpu.memory_space<hbm>> -> memref<248x256xf32, #tpu.memory_space<hbm>>
    %dma_start3A_895 = arith.constant 0 : i32
    %dma_start3A_896 = arith.constant 0 : i32
    %dma_start3A_897 = tpu.memref_slice %arg4[%dma_start3A_886, %dma_start3A_895, %dma_start3A_896] : memref<2x248x256xf32, #tpu.memory_space<vmem>> -> memref<1x248x256xf32, #tpu.memory_space<vmem>>
    %dma_start3A_898 = tpu.memref_squeeze %dma_start3A_897 : memref<1x248x256xf32, #tpu.memory_space<vmem>> -> memref<248x256xf32, #tpu.memory_space<vmem>>
    tpu.enqueue_dma source(%dma_start3A_898 : memref<248x256xf32, #tpu.memory_space<vmem>>) target(%dma_start3A_894 : memref<248x256xf32, #tpu.memory_space<hbm>>) target_semaphore(%arg8 : memref<!tpu.dma_semaphore, #tpu.memory_space<semaphore_mem>>)
    %dma_wait3A_899 = arith.constant 0 : i32
    %dma_wait3A_900 = arith.constant 0 : i32
    %dma_wait3A_901 = arith.constant 0 : i32
    %dma_wait3A_902 = tpu.memref_slice %arg4[%dma_wait3A_899, %dma_wait3A_900, %dma_wait3A_901] : memref<2x248x256xf32, #tpu.memory_space<vmem>> -> memref<1x128x256xf32, #tpu.memory_space<vmem>>
    %dma_wait3A_903 = tpu.memref_squeeze %dma_wait3A_902 : memref<1x128x256xf32, #tpu.memory_space<vmem>> -> memref<128x256xf32, #tpu.memory_space<vmem>>
    %dma_wait3A_904 = arith.constant 0 : i32
    %dma_wait3A_905 = tpu.memref_slice %arg2[%add3A_857, %dma_wait3A_904] : memref<131072x256xf32, #tpu.memory_space<hbm>> -> memref<128x256xf32, #tpu.memory_space<hbm>>
    %dma_wait3A_906 = arith.constant 0 : i32
    %dma_wait3A_907 = arith.constant 0 : i32
    %dma_wait3A_908 = tpu.memref_slice %arg4[%dma_wait3A_899, %dma_wait3A_906, %dma_wait3A_907] : memref<2x248x256xf32, #tpu.memory_space<vmem>> -> memref<1x128x256xf32, #tpu.memory_space<vmem>>
    %dma_wait3A_909 = tpu.memref_squeeze %dma_wait3A_908 : memref<1x128x256xf32, #tpu.memory_space<vmem>> -> memref<128x256xf32, #tpu.memory_space<vmem>>
    %dma_wait3A_910 = arith.constant 0 : i32
    %dma_wait3A_911 = tpu.memref_slice %arg2[%add3A_857, %dma_wait3A_910] : memref<131072x256xf32, #tpu.memory_space<hbm>> -> memref<128x256xf32, #tpu.memory_space<hbm>>
    tpu.wait_dma2 semaphore(%arg5 : memref<!tpu.dma_semaphore, #tpu.memory_space<semaphore_mem>>) src(%dma_wait3A_911 : memref<128x256xf32, #tpu.memory_space<hbm>>) dst(%dma_wait3A_909 : memref<128x256xf32, #tpu.memory_space<vmem>>)
    %add3A_912 = arith.constant 3968 : i32
    %add3A_913 = arith.addi %mul3A_2, %add3A_912 : i32
    %dma_start3A_914 = arith.constant 0 : i32
    %dma_start3A_915 = arith.constant 0 : i32
    %dma_start3A_916 = arith.constant 0 : i32
    %dma_start3A_917 = tpu.memref_slice %arg4[%dma_start3A_914, %dma_start3A_915, %dma_start3A_916] : memref<2x248x256xf32, #tpu.memory_space<vmem>> -> memref<1x128x256xf32, #tpu.memory_space<vmem>>
    %dma_start3A_918 = tpu.memref_squeeze %dma_start3A_917 : memref<1x128x256xf32, #tpu.memory_space<vmem>> -> memref<128x256xf32, #tpu.memory_space<vmem>>
    %dma_start3A_919 = arith.constant 0 : i32
    %dma_start3A_920 = tpu.memref_slice %arg3[%add3A_913, %dma_start3A_919] : memref<131072x256xf32, #tpu.memory_space<hbm>> -> memref<128x256xf32, #tpu.memory_space<hbm>>
    %dma_start3A_921 = arith.constant 0 : i32
    %dma_start3A_922 = tpu.memref_slice %arg3[%add3A_913, %dma_start3A_921] : memref<131072x256xf32, #tpu.memory_space<hbm>> -> memref<128x256xf32, #tpu.memory_space<hbm>>
    %dma_start3A_923 = arith.constant 0 : i32
    %dma_start3A_924 = arith.constant 0 : i32
    %dma_start3A_925 = tpu.memref_slice %arg4[%dma_start3A_914, %dma_start3A_923, %dma_start3A_924] : memref<2x248x256xf32, #tpu.memory_space<vmem>> -> memref<1x128x256xf32, #tpu.memory_space<vmem>>
    %dma_start3A_926 = tpu.memref_squeeze %dma_start3A_925 : memref<1x128x256xf32, #tpu.memory_space<vmem>> -> memref<128x256xf32, #tpu.memory_space<vmem>>
    tpu.enqueue_dma source(%dma_start3A_926 : memref<128x256xf32, #tpu.memory_space<vmem>>) target(%dma_start3A_922 : memref<128x256xf32, #tpu.memory_space<hbm>>) target_semaphore(%arg7 : memref<!tpu.dma_semaphore, #tpu.memory_space<semaphore_mem>>)
    %dma_wait3A_927 = arith.constant 1 : i32
    %dma_wait3A_928 = arith.constant 0 : i32
    %dma_wait3A_929 = arith.constant 0 : i32
    %dma_wait3A_930 = tpu.memref_slice %arg4[%dma_wait3A_927, %dma_wait3A_928, %dma_wait3A_929] : memref<2x248x256xf32, #tpu.memory_space<vmem>> -> memref<1x248x256xf32, #tpu.memory_space<vmem>>
    %dma_wait3A_931 = tpu.memref_squeeze %dma_wait3A_930 : memref<1x248x256xf32, #tpu.memory_space<vmem>> -> memref<248x256xf32, #tpu.memory_space<vmem>>
    %dma_wait3A_932 = arith.constant 0 : i32
    %dma_wait3A_933 = tpu.memref_slice %arg3[%add3A_885, %dma_wait3A_932] : memref<131072x256xf32, #tpu.memory_space<hbm>> -> memref<248x256xf32, #tpu.memory_space<hbm>>
    %dma_wait3A_934 = arith.constant 0 : i32
    %dma_wait3A_935 = tpu.memref_slice %arg3[%add3A_885, %dma_wait3A_934] : memref<131072x256xf32, #tpu.memory_space<hbm>> -> memref<248x256xf32, #tpu.memory_space<hbm>>
    %dma_wait3A_936 = arith.constant 0 : i32
    %dma_wait3A_937 = arith.constant 0 : i32
    %dma_wait3A_938 = tpu.memref_slice %arg4[%dma_wait3A_927, %dma_wait3A_936, %dma_wait3A_937] : memref<2x248x256xf32, #tpu.memory_space<vmem>> -> memref<1x248x256xf32, #tpu.memory_space<vmem>>
    %dma_wait3A_939 = tpu.memref_squeeze %dma_wait3A_938 : memref<1x248x256xf32, #tpu.memory_space<vmem>> -> memref<248x256xf32, #tpu.memory_space<vmem>>
    tpu.wait_dma2 semaphore(%arg8 : memref<!tpu.dma_semaphore, #tpu.memory_space<semaphore_mem>>) src(%dma_wait3A_939 : memref<248x256xf32, #tpu.memory_space<vmem>>) dst(%dma_wait3A_935 : memref<248x256xf32, #tpu.memory_space<hbm>>)
    %dma_wait3A_940 = arith.constant 0 : i32
    %dma_wait3A_941 = arith.constant 0 : i32
    %dma_wait3A_942 = arith.constant 0 : i32
    %dma_wait3A_943 = tpu.memref_slice %arg4[%dma_wait3A_940, %dma_wait3A_941, %dma_wait3A_942] : memref<2x248x256xf32, #tpu.memory_space<vmem>> -> memref<1x128x256xf32, #tpu.memory_space<vmem>>
    %dma_wait3A_944 = tpu.memref_squeeze %dma_wait3A_943 : memref<1x128x256xf32, #tpu.memory_space<vmem>> -> memref<128x256xf32, #tpu.memory_space<vmem>>
    %dma_wait3A_945 = arith.constant 0 : i32
    %dma_wait3A_946 = tpu.memref_slice %arg3[%add3A_913, %dma_wait3A_945] : memref<131072x256xf32, #tpu.memory_space<hbm>> -> memref<128x256xf32, #tpu.memory_space<hbm>>
    %dma_wait3A_947 = arith.constant 0 : i32
    %dma_wait3A_948 = tpu.memref_slice %arg3[%add3A_913, %dma_wait3A_947] : memref<131072x256xf32, #tpu.memory_space<hbm>> -> memref<128x256xf32, #tpu.memory_space<hbm>>
    %dma_wait3A_949 = arith.constant 0 : i32
    %dma_wait3A_950 = arith.constant 0 : i32
    %dma_wait3A_951 = tpu.memref_slice %arg4[%dma_wait3A_940, %dma_wait3A_949, %dma_wait3A_950] : memref<2x248x256xf32, #tpu.memory_space<vmem>> -> memref<1x128x256xf32, #tpu.memory_space<vmem>>
    %dma_wait3A_952 = tpu.memref_squeeze %dma_wait3A_951 : memref<1x128x256xf32, #tpu.memory_space<vmem>> -> memref<128x256xf32, #tpu.memory_space<vmem>>
    tpu.wait_dma2 semaphore(%arg7 : memref<!tpu.dma_semaphore, #tpu.memory_space<semaphore_mem>>) src(%dma_wait3A_952 : memref<128x256xf32, #tpu.memory_space<vmem>>) dst(%dma_wait3A_948 : memref<128x256xf32, #tpu.memory_space<hbm>>)
    return
  }
}

</mosaic_0001>

<sc_bundles>
// kernel: kernel.3.cloned.1.call-start
scs
__scs_entry_jumppad:
0x0: {  	(pc) =	sbr.rel $0x88, $3  }
0x1: {  	(tag) =	ssettag $0x0;
	lr =	simm.s32 $0x1  }
0x2: {  	[smem:$0x3FA0] =	sst lr;
	_ =	strace $0xD0000000  }
0x3: {  	_ = 	snop  }
0x4: {  	_ = 	snop  }
0x5: {  	_ = 	snop  }
0x6: {  	_ = 	snop  }
0x7: {  	_ = 	snop  }
__scs_overlays_trampoline_lowered:
0x8: {  	[smem:$0x3FAF] =	sst s0  }
0x9: {  	[smem:$0x3FB0] =	sst s1  }
0xa: {  	[smem:$0x3FB1] =	sst s2  }
0xb: {  	[smem:$0x3FB2] =	sst s3  }
0xc: {  	[smem:$0x3FB3] =	sst s4  }
0xd: {  	[smem:$0x3FB4] =	sst s5  }
0xe: {  	[smem:$0x3FB5] =	sst s6  }
0xf: {  	[smem:$0x3FB6] =	sst s7  }
0x10: {  	[smem:$0x3FB7] =	sst s8  }
0x11: {  	[smem:$0x3FB8] =	sst s9;
	s0 =	simm.s32 @!p0 $0x0  }
0x12: {  	s1 =	sld [smem:$0x3F9E];
	s0 =	simm.s32 @p0 $0x1  }
0x13: {  	[smem:$0x3FB9] =	sst s0;
	s0 =	simm.s32 @!p1 $0x0  }
0x14: {  	s2 =	sld [smem:$0x3F9D];
	s0 =	simm.s32 @p1 $0x1  }
0x15: {  	[smem:$0x3FBA] =	sst s0;
	s0 =	simm.s32 @!p2 $0x0  }
0x16: {  	s3 =	sld [smem:$0x3FDB];
	s0 =	simm.s32 @p2 $0x1  }
0x17: {  	s4 =	simm.s32 $0x1BF5;
	[smem:$0x3FBC] =	sst s0  }
0x18: {  	s0 =	sld [smem:$0x3F9F];
	_ =	swait.ge [sflag:s4], $0x0  }
0x19: {  	s7 =	sld [smem:$0x3FA0]  }
0x1a: {  	s8 =	sadd.s32 $0xFFFFE003, lr  }
0x1b: {  	s9 =	sadd.s32 $0xFFFFFEF7, lr;
	s5 =	simm.s32 $0xFFFFFFFF;
	p2 =	slt.u32 s8, $0xFFFFF086  }
0x1c: {  	p1 =	slt.u32 s9, $0xF7A;
	s5 =	simm.s32 @!p2 $0x0  }
0x1d: {  	s5 =	simm.s32 @p1 $0x1;
	p0 =	seq.s32 s7, s2  }
0x1e: {  	s7 =	smul.u32 @!p0 $0xF7A, s2;
	p2 =	seq.s32 @!p0 s5, $0x0  }
0x1f: {  	s9 =	smul.u32 $0xF7A, s1;
	s8 =	simm.s32 @!p0 $0x1BF5;
	p2 =	por !p2, p0  }
0x20: {  	[sflag:s8] =	ssyncset.s32 @!p0 $0xFFFFF086;
	s6 =	sadd.s32 @!p0 s3, s7;
	s7 =	simm.s32 @!p0 $0x108  }
0x21: {  	s3 =	sadd.s32 s3, s9;
	s6 =	sadd.s32 @!p0 $0x88, s6;
	s7 =	simm.s32 @p2 $0x1082  }
0x22: {  	[simem:s7], [sflag:s8] =	dma.local @!p0 [hbm:s6], $0xF7A  }
0x23: {  	s9 =	sor.u32 $0xD0000000, s2;
	s6 =	simm.s32 $0x108;
	_ =	swait.ge @!p0 [sflag:s8], $0x0  }
0x24: {  	s3 =	sadd.s32 $0x88, s3;
	s6 =	simm.s32 @!p1 $0x1082;
	[sflag:s4] =	ssyncset.s32 $0xFFFFF086  }
0x25: {  	[simem:s6], [sflag:s4] =	dma.local [hbm:s3], $0xF7A  }
0x26: {  	[smem:$0x3FA0] =	sst s1;
	(tag) =	ssettag s2;
	_ =	strace s9  }
0x27: {  	s1 =	sld [smem:$0x3FB0]  }
0x28: {  	s2 =	sld [smem:$0x3FB1]  }
0x29: {  	s4 =	sld [smem:$0x3FB3]  }
0x2a: {  	p0 =	seq.s32 s5, $0x0;
	s5 =	sld [smem:$0x3FB4]  }
0x2b: {  	s6 =	sld [smem:$0x3FB5]  }
0x2c: {  	s7 =	sld [smem:$0x3FB6]  }
0x2d: {  	s3 =	simm.s32 $0x108;
	s8 =	sld [smem:$0x3FB7]  }
0x2e: {  	s3 =	simm.s32 @!p0 $0x1082;
	s9 =	sld [smem:$0x3FB8]  }
0x2f: {  	lr =	sadd.s32 s0, s3;
	s0 =	sld [smem:$0x3FAF]  }
0x30: {  	s3 =	sld [smem:$0x3FB2]  }
0x31: {  	[smem:$0x3FBB] =	sst s10  }
0x32: {  	s10 =	sld [smem:$0x3FB9];
	_ =	sdelay $0x3  }
0x33: {  	p0 =	seq.s32 s10, $0x1;
	s10 =	sld [smem:$0x3FBB];
	_ =	sdelay $0x3  }
0x34: {  	[smem:$0x3FBB] =	sst s10  }
0x35: {  	s10 =	sld [smem:$0x3FBA];
	_ =	sdelay $0x3  }
0x36: {  	p1 =	seq.s32 s10, $0x1;
	s10 =	sld [smem:$0x3FBB];
	_ =	sdelay $0x3  }
0x37: {  	[smem:$0x3FBB] =	sst s10  }
0x38: {  	s10 =	sld [smem:$0x3FBC]  }
0x39: {  	_ = 	snop;
	(pc) =	sbr.ind lr, $3  }
0x3a: {  	_ = 	snop  }
0x3b: {  	_ = 	snop  }
0x3c: {  	p2 =	seq.s32 s10, $0x1;
	s10 =	sld [smem:$0x3FBB]  }
0x3d: {  	_ =	shalt  }
0x3e: {  	_ =	shalt  }
0x3f: {  	_ =	shalt  }
0x40: {  	_ =	shalt  }
0x41: {  	_ =	shalt  }
0x42: {  	_ =	shalt  }
0x43: {  	_ =	shalt  }
0x44: {  	_ =	shalt  }
0x45: {  	_ =	shalt  }
0x46: {  	_ =	shalt  }
0x47: {  	_ =	shalt  }
0x48: {  	_ =	shalt  }
0x49: {  	_ =	shalt  }
0x4a: {  	_ =	shalt  }
0x4b: {  	_ =	shalt  }
0x4c: {  	_ =	shalt  }
0x4d: {  	_ =	shalt  }
0x4e: {  	_ =	shalt  }
0x4f: {  	_ =	shalt  }
0x50: {  	_ =	shalt  }
0x51: {  	_ =	shalt  }
0x52: {  	_ =	shalt  }
0x53: {  	_ =	shalt  }
0x54: {  	_ =	shalt  }
0x55: {  	_ =	shalt  }
0x56: {  	_ =	shalt  }
0x57: {  	_ =	shalt  }
0x58: {  	_ =	shalt  }
0x59: {  	_ =	shalt  }
0x5a: {  	_ =	shalt  }
0x5b: {  	_ =	shalt  }
0x5c: {  	_ =	shalt  }
0x5d: {  	_ =	shalt  }
0x5e: {  	_ =	shalt  }
0x5f: {  	_ =	shalt  }
0x60: {  	_ =	shalt  }
0x61: {  	_ =	shalt  }
0x62: {  	_ =	shalt  }
0x63: {  	_ =	shalt  }
0x64: {  	_ =	shalt  }
0x65: {  	_ =	shalt  }
0x66: {  	_ =	shalt  }
0x67: {  	_ =	shalt  }
0x68: {  	_ =	shalt  }
0x69: {  	_ =	shalt  }
0x6a: {  	_ =	shalt  }
0x6b: {  	_ =	shalt  }
0x6c: {  	_ =	shalt  }
0x6d: {  	_ =	shalt  }
0x6e: {  	_ =	shalt  }
0x6f: {  	_ =	shalt  }
0x70: {  	_ =	shalt  }
0x71: {  	_ =	shalt  }
0x72: {  	_ =	shalt  }
0x73: {  	_ =	shalt  }
0x74: {  	_ =	shalt  }
0x75: {  	_ =	shalt  }
0x76: {  	_ =	shalt  }
0x77: {  	_ =	shalt  }
0x78: {  	_ =	shalt  }
0x79: {  	_ =	shalt  }
0x7a: {  	_ =	shalt  }
0x7b: {  	_ =	shalt  }
0x7c: {  	_ =	shalt  }
0x7d: {  	_ =	shalt  }
0x7e: {  	_ =	shalt  }
0x7f: {  	_ =	shalt  }
0x80: {  	_ =	shalt  }
0x81: {  	_ =	shalt  }
0x82: {  	_ =	shalt  }
0x83: {  	_ =	shalt  }
0x84: {  	_ =	shalt  }
0x85: {  	_ =	shalt  }
0x86: {  	_ =	shalt  }
0x87: {  	_ =	shalt  }
.Lfunc_end0:
.L_simem_size_0:
called_computation_lowered:
.L_overlay_start_0:
0x88: {  	s2 =	sld [smem:$0x3FD9]  }
0x89: {  	s3 =	sld [smem:$0x3FFE];
	_ =	sdelay $0x1  }
0x8a: {  	s1 =	srdreg.scid  }
0x8b: {  	s0 =	sand.u32 $0x1, s1  }
0x8c: {  	s18 =	sshll.u32 s0, $0xA;
	s2 =	sadd.s32 s3, s2  }
0x8d: {  	s2 =	sadd.s32 s2, s18  }
0x8e: {  	[smem:$0x3FC7] =	sst s2  }
0x8f: {  	_ = 	snop  }
0x90: {  	s2 =	sld [smem:$0x3FC9]  }
0x91: {  	s19 =	sld [smem:$0x3FD0];
	(tm) =	ssettm $0x1  }
0x92: {  	s4 =	sld [smem:$0x3FFB];
	_ =	sdelay $0x3  }
0x93: {  	_ =	strace s4  }
0x94: {  	s4 =	sld [smem:$0x3FFC];
	_ =	sdelay $0x3  }
0x95: {  	_ =	strace s4  }
0x96: {  	s4 =	sld [smem:$0x3FFD];
	_ =	sdelay $0x3  }
0x97: {  	_ =	strace s4  }
0x98: {  	_ =	strace $0x8FFFFFFF  }
0x99: {  	s20 =	sld [smem:$0x3FDB];
	_ =	sdelay $0x1  }
0x9a: {  	s5 =	simm.s32 $_scs_section_size  }
0x9b: {  	s6 =	simm.s32 $_size__tile_overlayer_lowered;
	s7 =	simm.s32 $_tile_overlayer_lowered  }
0x9c: {  	s23 =	simm.s32 $0x1BFF;
	s22 =	sshll.u32 s7, $0x1;
	s4 =	sadd.s32 s5, s20  }
0x9d: {  	s8 =	simm.s32 $0x0;
	s21 =	sshll.u32 s6, $0x1;
	s6 =	sadd.s32 s22, s4  }
0x9e: {  	[timem:s8], [sflag:s23] =	dma.local [hbm:s6], s21  }
0x9f: {  	_ =	swait.ge [sflag:s23], s21  }
0xa0: {  	s5 =	ssub.s32 $0x0, s21;
	[sflag:s23] =	ssyncset.done $0x0  }
0xa1: {  	[sflag:s23] =	ssyncadd.s32 s5;
	_ =	sdelay $0x1  }
0xa2: {  	s24 =	simm.s32 $0x1B8B  }
0xa3: {  	_ =	swait.ge [sflag:s24], $0x1  }
0xa4: {  	[sflag:s24] =	ssyncset.done $0x0  }
0xa5: {  	s25 =	simm.s32 $0x1B8E;
	[sflag:s24] =	ssyncadd.s32 $0xFFFFFFFF  }
0xa6: {  	s26 =	simm.s32 $execute0_lowered;
	[smem:$0x3FD2] =	sst s25  }
0xa7: {  	s5 =	sshll.u32 s26, $0x1;
	_ =	strace $0x80000046;
	[dreg:$0x1] =	wrdreg $0xFFFFFFFF  }
0xa8: {  	s28 =	simm.s32 $_size_execute0_lowered;
	s4 =	sadd.s32 s4, s5;
	[dreg:$0x0] =	wrdreg $0x0  }
0xa9: {  	s5 =	sshll.u32 s28, $0x1;
	[dreg:$0x2] =	wrdreg s4  }
0xaa: {  	[dreg:$0x3] =	wrdreg s5  }
0xab: {  	[dreg:$0x4] =	wrdreg $0xC0  }
0xac: {  	_ =	task [dreg:s8], $0x5FFFF  }
0xad: {  	[dreg:$0x1] =	wrdreg $0xFFFFFFFF  }
0xae: {  	[dreg:$0x0] =	wrdreg $0x60  }
0xaf: {  	[dreg:$0x2] =	wrdreg s2  }
0xb0: {  	[dreg:$0x3] =	wrdreg s19  }
0xb1: {  	[dreg:$0x4] =	wrdreg $0x9  }
0xb2: {  	_ =	task.clear_ibuf [dreg:s8], $0x5FFFF;
	_ =	strace $0x90000046  }
0xb3: {  	s29 =	simm.s32 $0x9;
	_ =	strace $0x80000048  }
0xb4: {  	_ =	swait.ge [sflag:s29], $0x1  }
0xb5: {  	[sflag:s29] =	ssyncadd.s32 $0xFFFFFFFF  }
0xb6: {  	_ =	strace $0x90000048  }
0xb7: {  	_ =	sfence  }
0xb8: {  	s30 =	sld [smem:$0x0];
	_ =	sdelay $0x2  }
0xb9: {  	s31 =	sshll.u32 s1, $0xD;
	s1 =	sshrl.u32 s1, $0x2  }
0xba: {  	s3 =	sand.u32 $0x4000, s31;
	s1 =	sadd.s32 s1, s30  }
0xbb: {  	s0 =	sor.u32 s3, s0;
	s1 =	sshll.u32 s1, $0x11  }
0xbc: {  	s0 =	sor.u32 s1, s0  }
0xbd: {  	s0 =	sadd.s32 $0x8F2B, s0  }
0xbe: {  	[sflag:s0] =	ssyncadd.remote.s32 $0x1  }
0xbf: {  	_ =	sfence.sel $0xFFFF  }
0xc0: {  	[dreg:$0x0] =	wrdreg $0xFFFFFFFF;
	(pc) =	sbr.abs _section_cstart, $3  }
0xc1: {  	[dreg:$0x1] =	wrdreg $0xFFFFFFFF  }
0xc2: {  	_ =	task.clear_ibuf [dreg:s8], $0x2FFFF;
	_ =	strace $0x9FFFFFFF  }
0xc3: {  	(tm) =	ssettm $0x7FFFFFFF  }
tec
execute0_lowered:
.L_overlay_start_1:
0x0: {  	(tag) =	ssettag $0x1  }
0x1: {  	s29 =	rddreg [dreg:$0x0];
	s0 =	srdreg.scid  }
0x2: {  	s3 =	stileid.u32;
	s2 =	simm.s32 $0x0;
	s0 =	sand.u32 $0x1, s0  }
0x3: {  	s3 =	sshll.u32 s3, $0x12;
	[smem:$0x7FF] =	sst s2;
	s4 =	sshll.u32 s0, $0x11  }
0x4: {  	[dreg:$0xf] =	wrdreg s0;
	s30 =	sor.u32 s4, s3  }
0x5: {  	s1 =	rddreg [dreg:$0x1];
	_ =	strace $0x80000047;
	s3 =	sadd.s32 s29, s30  }
0x6: {  	s4 =	sor.u32 $0x1F00, s30;
	s6 =	sadd.s32 s1, s30;
	[dreg:$0x3] =	wrdreg s3  }
0x7: {  	s5 =	sadd.s32 s29, s4;
	[dreg:$0x5] =	wrdreg s6  }
0x8: {  	s9 =	sor.u32 $0x5D00, s30;
	s8 =	sadd.s32 s1, s4;
	[dreg:$0x4] =	wrdreg s5  }
0x9: {  	s12 =	sor.u32 $0x7C00, s30;
	s10 =	sadd.s32 s29, s9;
	[dreg:$0x7] =	wrdreg s8  }
0xa: {  	s13 =	sadd.s32 s29, s12;
	[dreg:$0x8] =	wrdreg s10  }
0xb: {  	s14 =	sadd.s32 s1, s9;
	[dreg:$0xa] =	wrdreg s13  }
0xc: {  	s15 =	sor.u32 $0x9B00, s30;
	[dreg:$0xb] =	wrdreg s14  }
0xd: {  	s16 =	sadd.s32 s29, s15;
	s17 =	rddreg [dreg:$0x3]  }
0xe: {  	s18 =	sadd.s32 s1, s12;
	[dreg:$0xc] =	wrdreg s16  }
0xf: {  	s5 =	sor.u32 $0x3E00, s30;
	[dreg:$0xd] =	wrdreg s18  }
0x10: {  	s7 =	sadd.s32 s29, s5;
	s19 =	rddreg [dreg:$0x4]  }
0x11: {  	[tilespmem:s2], [sflag:$0x1] =	stream.linear.gather [hbm4b:s17+s2], $0xF800, $0x38;
	[tilespmem:$0x1F000] =	vst v63  }
0x12: {  	s11 =	sadd.s32 s1, s5;
	[dreg:$0x6] =	wrdreg s7  }
0x13: {  	s3 =	simm.s32 $0xF800;
	s4 =	simm.s32 $0x1;
	[dreg:$0x9] =	wrdreg s11  }
0x14: {  	[tilespmem:s3], [sflag:$0x2] =	stream.linear.gather [hbm4b:s19+s2], $0xF800, $0x38;
	[tilespmem:$0x1F000] =	vst v63  }
0x15: {  	_ =	swait.ge [sflag:s4], $0xF800  }
0x16: {  	[sflag:s4] =	ssyncset.done $0x0  }
0x17: {  	s5 =	simm.s32 $0x3;
	s6 =	rddreg [dreg:$0x5];
	[sflag:s4] =	ssyncadd.s32 $0xFFFF0800  }
0x18: {  	[hbm4b:s6+s2] =	stream.linear.scatter [tilespmem:s2], [sflag:$0x3], $0xF800, $0x38;
	[tilespmem:$0x1F000] =	vst v63  }
0x19: {  	_ =	swait.ge [sflag:s5], $0xF800  }
0x1a: {  	[sflag:s5] =	ssyncset.done $0x0  }
0x1b: {  	s6 =	simm.s32 $0x2;
	s7 =	rddreg [dreg:$0x6];
	[sflag:s5] =	ssyncadd.s32 $0xFFFF0800  }
0x1c: {  	[tilespmem:s2], [sflag:$0x1] =	stream.linear.gather [hbm4b:s7+s2], $0xF800, $0x38;
	[tilespmem:$0x1F000] =	vst v63  }
0x1d: {  	_ =	swait.ge [sflag:s6], $0xF800  }
0x1e: {  	[sflag:s6] =	ssyncset.done $0x0  }
0x1f: {  	s7 =	simm.s32 $0x4;
	s8 =	rddreg [dreg:$0x7];
	[sflag:s6] =	ssyncadd.s32 $0xFFFF0800  }
0x20: {  	[hbm4b:s8+s2] =	stream.linear.scatter [tilespmem:s3], [sflag:$0x4], $0xF800, $0x38;
	[tilespmem:$0x1F000] =	vst v63  }
0x21: {  	_ =	swait.ge [sflag:s7], $0xF800  }
0x22: {  	[sflag:s7] =	ssyncset.done $0x0  }
0x23: {  	s20 =	rddreg [dreg:$0x8];
	[sflag:s7] =	ssyncadd.s32 $0xFFFF0800  }
0x24: {  	[tilespmem:s3], [sflag:$0x2] =	stream.linear.gather [hbm4b:s20+s2], $0xF800, $0x38;
	[tilespmem:$0x1F000] =	vst v63  }
0x25: {  	_ =	swait.ge [sflag:s4], $0xF800  }
0x26: {  	[sflag:s4] =	ssyncset.done $0x0  }
0x27: {  	s21 =	rddreg [dreg:$0x9];
	[sflag:s4] =	ssyncadd.s32 $0xFFFF0800  }
0x28: {  	[hbm4b:s21+s2] =	stream.linear.scatter [tilespmem:s2], [sflag:$0x3], $0xF800, $0x38;
	[tilespmem:$0x1F000] =	vst v63  }
0x29: {  	_ =	swait.ge [sflag:s5], $0xF800  }
0x2a: {  	[sflag:s5] =	ssyncset.done $0x0  }
0x2b: {  	s22 =	rddreg [dreg:$0xa];
	[sflag:s5] =	ssyncadd.s32 $0xFFFF0800  }
0x2c: {  	[tilespmem:s2], [sflag:$0x1] =	stream.linear.gather [hbm4b:s22+s2], $0xF800, $0x38;
	[tilespmem:$0x1F000] =	vst v63  }
0x2d: {  	_ =	swait.ge [sflag:s6], $0xF800  }
0x2e: {  	[sflag:s6] =	ssyncset.done $0x0  }
0x2f: {  	s23 =	rddreg [dreg:$0xb];
	[sflag:s6] =	ssyncadd.s32 $0xFFFF0800  }
0x30: {  	[hbm4b:s23+s2] =	stream.linear.scatter [tilespmem:s3], [sflag:$0x4], $0xF800, $0x38;
	[tilespmem:$0x1F000] =	vst v63  }
0x31: {  	_ =	swait.ge [sflag:s7], $0xF800  }
0x32: {  	[sflag:s7] =	ssyncset.done $0x0  }
0x33: {  	s24 =	rddreg [dreg:$0xc];
	[sflag:s7] =	ssyncadd.s32 $0xFFFF0800  }
0x34: {  	[tilespmem:s3], [sflag:$0x2] =	stream.linear.gather [hbm4b:s24+s2], $0xF800, $0x38;
	[tilespmem:$0x1F000] =	vst v63  }
0x35: {  	_ =	swait.ge [sflag:s4], $0xF800  }
0x36: {  	[sflag:s4] =	ssyncset.done $0x0  }
0x37: {  	s25 =	rddreg [dreg:$0xd];
	[sflag:s4] =	ssyncadd.s32 $0xFFFF0800  }
0x38: {  	[hbm4b:s25+s2] =	stream.linear.scatter [tilespmem:s2], [sflag:$0x3], $0xF800, $0x38;
	[tilespmem:$0x1F000] =	vst v63  }
0x39: {  	s11 =	sor.u32 $0xBA00, s30;
	_ =	swait.ge [sflag:s5], $0xF800  }
0x3a: {  	s26 =	sadd.s32 s29, s11;
	[sflag:s5] =	ssyncset.done $0x0  }
0x3b: {  	[dreg:$0xe] =	wrdreg s26;
	[sflag:s5] =	ssyncadd.s32 $0xFFFF0800  }
0x3c: {  	[tilespmem:s2], [sflag:$0x1] =	stream.linear.gather [hbm4b:s26+s2], $0xF800, $0x38;
	[tilespmem:$0x1F000] =	vst v63  }
0x3d: {  	_ =	swait.ge [sflag:s6], $0xF800  }
0x3e: {  	[sflag:s6] =	ssyncset.done $0x0  }
0x3f: {  	s0 =	sadd.s32 s1, s15;
	[sflag:s6] =	ssyncadd.s32 $0xFFFF0800  }
0x40: {  	[hbm4b:s0+s2] =	stream.linear.scatter [tilespmem:s3], [sflag:$0x4], $0xF800, $0x38;
	[tilespmem:$0x1F000] =	vst v63  }
0x41: {  	_ =	swait.ge [sflag:s7], $0xF800  }
0x42: {  	s13 =	sor.u32 $0xD900, s30;
	[sflag:s7] =	ssyncset.done $0x0  }
0x43: {  	s10 =	sadd.s32 s29, s13;
	[sflag:s7] =	ssyncadd.s32 $0xFFFF0800  }
0x44: {  	[tilespmem:s3], [sflag:$0x2] =	stream.linear.gather [hbm4b:s10+s2], $0xF800, $0x38;
	[tilespmem:$0x1F000] =	vst v63  }
0x45: {  	_ =	swait.ge [sflag:s4], $0xF800  }
0x46: {  	[sflag:s4] =	ssyncset.done $0x0  }
0x47: {  	s11 =	sadd.s32 s1, s11;
	[sflag:s4] =	ssyncadd.s32 $0xFFFF0800  }
0x48: {  	[hbm4b:s11+s2] =	stream.linear.scatter [tilespmem:s2], [sflag:$0x3], $0xF800, $0x38;
	[tilespmem:$0x1F000] =	vst v63  }
0x49: {  	_ =	swait.ge [sflag:s5], $0xF800  }
0x4a: {  	s15 =	sor.u32 $0xF800, s30;
	[sflag:s5] =	ssyncset.done $0x0  }
0x4b: {  	s12 =	sadd.s32 s29, s15;
	[sflag:s5] =	ssyncadd.s32 $0xFFFF0800  }
0x4c: {  	[tilespmem:s2], [sflag:$0x1] =	stream.linear.gather [hbm4b:s12+s2], $0xF800, $0x38;
	[tilespmem:$0x1F000] =	vst v63  }
0x4d: {  	_ =	swait.ge [sflag:s6], $0xF800  }
0x4e: {  	[sflag:s6] =	ssyncset.done $0x0  }
0x4f: {  	s13 =	sadd.s32 s1, s13;
	[sflag:s6] =	ssyncadd.s32 $0xFFFF0800  }
0x50: {  	[hbm4b:s13+s2] =	stream.linear.scatter [tilespmem:s3], [sflag:$0x4], $0xF800, $0x38;
	[tilespmem:$0x1F000] =	vst v63  }
0x51: {  	_ =	swait.ge [sflag:s7], $0xF800  }
0x52: {  	s17 =	sor.u32 $0x11700, s30;
	[sflag:s7] =	ssyncset.done $0x0  }
0x53: {  	s14 =	sadd.s32 s29, s17;
	[sflag:s7] =	ssyncadd.s32 $0xFFFF0800  }
0x54: {  	[tilespmem:s3], [sflag:$0x2] =	stream.linear.gather [hbm4b:s14+s2], $0xF800, $0x38;
	[tilespmem:$0x1F000] =	vst v63  }
0x55: {  	_ =	swait.ge [sflag:s4], $0xF800  }
0x56: {  	[sflag:s4] =	ssyncset.done $0x0  }
0x57: {  	s15 =	sadd.s32 s1, s15;
	[sflag:s4] =	ssyncadd.s32 $0xFFFF0800  }
0x58: {  	[hbm4b:s15+s2] =	stream.linear.scatter [tilespmem:s2], [sflag:$0x3], $0xF800, $0x38;
	[tilespmem:$0x1F000] =	vst v63  }
0x59: {  	_ =	swait.ge [sflag:s5], $0xF800  }
0x5a: {  	s19 =	sor.u32 $0x13600, s30;
	[sflag:s5] =	ssyncset.done $0x0  }
0x5b: {  	s16 =	sadd.s32 s29, s19;
	[sflag:s5] =	ssyncadd.s32 $0xFFFF0800  }
0x5c: {  	[tilespmem:s2], [sflag:$0x1] =	stream.linear.gather [hbm4b:s16+s2], $0xF800, $0x38;
	[tilespmem:$0x1F000] =	vst v63  }
0x5d: {  	_ =	swait.ge [sflag:s6], $0xF800  }
0x5e: {  	[sflag:s6] =	ssyncset.done $0x0  }
0x5f: {  	s17 =	sadd.s32 s1, s17;
	[sflag:s6] =	ssyncadd.s32 $0xFFFF0800  }
0x60: {  	[hbm4b:s17+s2] =	stream.linear.scatter [tilespmem:s3], [sflag:$0x4], $0xF800, $0x38;
	[tilespmem:$0x1F000] =	vst v63  }
0x61: {  	_ =	swait.ge [sflag:s7], $0xF800  }
0x62: {  	s21 =	sor.u32 $0x15500, s30;
	[sflag:s7] =	ssyncset.done $0x0  }
0x63: {  	s18 =	sadd.s32 s29, s21;
	[sflag:s7] =	ssyncadd.s32 $0xFFFF0800  }
0x64: {  	[tilespmem:s3], [sflag:$0x2] =	stream.linear.gather [hbm4b:s18+s2], $0xF800, $0x38;
	[tilespmem:$0x1F000] =	vst v63  }
0x65: {  	_ =	swait.ge [sflag:s4], $0xF800  }
0x66: {  	[sflag:s4] =	ssyncset.done $0x0  }
0x67: {  	s19 =	sadd.s32 s1, s19;
	[sflag:s4] =	ssyncadd.s32 $0xFFFF0800  }
0x68: {  	[hbm4b:s19+s2] =	stream.linear.scatter [tilespmem:s2], [sflag:$0x3], $0xF800, $0x38;
	[tilespmem:$0x1F000] =	vst v63  }
0x69: {  	_ =	swait.ge [sflag:s5], $0xF800  }
0x6a: {  	s23 =	sor.u32 $0x17400, s30;
	[sflag:s5] =	ssyncset.done $0x0  }
0x6b: {  	s20 =	sadd.s32 s29, s23;
	[sflag:s5] =	ssyncadd.s32 $0xFFFF0800  }
0x6c: {  	[tilespmem:s2], [sflag:$0x1] =	stream.linear.gather [hbm4b:s20+s2], $0xF800, $0x38;
	[tilespmem:$0x1F000] =	vst v63  }
0x6d: {  	_ =	swait.ge [sflag:s6], $0xF800  }
0x6e: {  	[sflag:s6] =	ssyncset.done $0x0  }
0x6f: {  	s21 =	sadd.s32 s1, s21;
	[sflag:s6] =	ssyncadd.s32 $0xFFFF0800  }
0x70: {  	[hbm4b:s21+s2] =	stream.linear.scatter [tilespmem:s3], [sflag:$0x4], $0xF800, $0x38;
	[tilespmem:$0x1F000] =	vst v63  }
0x71: {  	_ =	swait.ge [sflag:s7], $0xF800  }
0x72: {  	s25 =	sor.u32 $0x19300, s30;
	[sflag:s7] =	ssyncset.done $0x0  }
0x73: {  	s22 =	sadd.s32 s29, s25;
	[sflag:s7] =	ssyncadd.s32 $0xFFFF0800  }
0x74: {  	[tilespmem:s3], [sflag:$0x2] =	stream.linear.gather [hbm4b:s22+s2], $0xF800, $0x38;
	[tilespmem:$0x1F000] =	vst v63  }
0x75: {  	_ =	swait.ge [sflag:s4], $0xF800  }
0x76: {  	[sflag:s4] =	ssyncset.done $0x0  }
0x77: {  	s23 =	sadd.s32 s1, s23;
	[sflag:s4] =	ssyncadd.s32 $0xFFFF0800  }
0x78: {  	[hbm4b:s23+s2] =	stream.linear.scatter [tilespmem:s2], [sflag:$0x3], $0xF800, $0x38;
	[tilespmem:$0x1F000] =	vst v63  }
0x79: {  	_ =	swait.ge [sflag:s5], $0xF800  }
0x7a: {  	s28 =	sor.u32 $0x1B200, s30;
	[sflag:s5] =	ssyncset.done $0x0  }
0x7b: {  	s24 =	sadd.s32 s29, s28;
	[sflag:s5] =	ssyncadd.s32 $0xFFFF0800  }
0x7c: {  	[tilespmem:s2], [sflag:$0x1] =	stream.linear.gather [hbm4b:s24+s2], $0xF800, $0x38;
	[tilespmem:$0x1F000] =	vst v63  }
0x7d: {  	_ =	swait.ge [sflag:s6], $0xF800  }
0x7e: {  	[sflag:s6] =	ssyncset.done $0x0  }
0x7f: {  	s25 =	sadd.s32 s1, s25;
	[sflag:s6] =	ssyncadd.s32 $0xFFFF0800  }
0x80: {  	[hbm4b:s25+s2] =	stream.linear.scatter [tilespmem:s3], [sflag:$0x4], $0xF800, $0x38;
	[tilespmem:$0x1F000] =	vst v63  }
0x81: {  	_ =	swait.ge [sflag:s7], $0xF800  }
0x82: {  	s31 =	sor.u32 $0x1D100, s30;
	[sflag:s7] =	ssyncset.done $0x0  }
0x83: {  	s26 =	sadd.s32 s29, s31;
	[sflag:s7] =	ssyncadd.s32 $0xFFFF0800  }
0x84: {  	[tilespmem:s3], [sflag:$0x2] =	stream.linear.gather [hbm4b:s26+s2], $0xF800, $0x38;
	[tilespmem:$0x1F000] =	vst v63  }
0x85: {  	_ =	swait.ge [sflag:s4], $0xF800  }
0x86: {  	[sflag:s4] =	ssyncset.done $0x0  }
0x87: {  	s28 =	sadd.s32 s1, s28;
	[sflag:s4] =	ssyncadd.s32 $0xFFFF0800  }
0x88: {  	[hbm4b:s28+s2] =	stream.linear.scatter [tilespmem:s2], [sflag:$0x3], $0xF800, $0x38;
	[tilespmem:$0x1F000] =	vst v63  }
0x89: {  	_ =	swait.ge [sflag:s5], $0xF800  }
0x8a: {  	s8 =	sor.u32 $0x1F000, s30;
	[sflag:s5] =	ssyncset.done $0x0  }
0x8b: {  	s29 =	sadd.s32 s29, s8;
	[sflag:s5] =	ssyncadd.s32 $0xFFFF0800  }
0x8c: {  	[tilespmem:s2], [sflag:$0x1] =	stream.linear.gather [hbm4b:s29+s2], $0x8000, $0x38;
	[tilespmem:$0x1F000] =	vst v63  }
0x8d: {  	_ =	swait.ge [sflag:s6], $0xF800  }
0x8e: {  	[sflag:s6] =	ssyncset.done $0x0  }
0x8f: {  	s30 =	sadd.s32 s1, s31;
	[sflag:s6] =	ssyncadd.s32 $0xFFFF0800  }
0x90: {  	[hbm4b:s30+s2] =	stream.linear.scatter [tilespmem:s3], [sflag:$0x4], $0xF800, $0x38;
	[tilespmem:$0x1F000] =	vst v63  }
0x91: {  	_ =	swait.ge [sflag:s4], $0x8000  }
0x92: {  	s31 =	sadd.s32 s1, s8;
	[sflag:s4] =	ssyncset.done $0x0;
	s1 =	rddreg [dreg:$0xf]  }
0x93: {  	s9 =	smov.u32 s0;
	s0 =	ssub.s32 $0x2, s1;
	[sflag:s4] =	ssyncadd.s32 $0xFFFF8000  }
0x94: {  	[hbm4b:s31+s2] =	stream.linear.scatter [tilespmem:s2], [sflag:$0x3], $0x8000, $0x38;
	[tilespmem:$0x1F000] =	vst v63  }
0x95: {  	s8 =	sshrl.u32 s0, $0x1  }
0x96: {  	s0 =	ssub.s32 s0, s8  }
0x97: {  	s0 =	smax.u32 s0, $0x1  }
0x98: {  	p0 =	sne.s32 s0, $0x1  }
.Ltmp0:
0x99: {  	_ =	swait.ge [sflag:s7], $0xF800;
	(pc) =	sbr.rel @!p0 .LBB2_2-.Ltmp0, $4  }
0x9a: {  	[sflag:s7] =	ssyncset.done $0x0  }
0x9b: {  	[sflag:s7] =	ssyncadd.s32 $0xFFFF0800  }
0x9c: {  	_ =	swait.ge [sflag:s5], $0x8000  }
0x9d: {  	s0 =	sadd.s32 $0xFFFFFFFF, s0;
	[sflag:s5] =	ssyncset.done $0x0  }
.LBB2_1:
0x9e: {  	s1 =	rddreg [dreg:$0x3];
	[sflag:s5] =	ssyncadd.s32 $0xFFFF8000  }
0x9f: {  	[tilespmem:s2], [sflag:$0x1] =	stream.linear.gather [hbm4b:s1+s2], $0xF800, $0x38;
	[tilespmem:$0x1F000] =	vst v63  }
0xa0: {  	s8 =	rddreg [dreg:$0x4]  }
0xa1: {  	[tilespmem:s3], [sflag:$0x2] =	stream.linear.gather [hbm4b:s8+s2], $0xF800, $0x38;
	[tilespmem:$0x1F000] =	vst v63  }
0xa2: {  	_ =	swait.ge [sflag:s4], $0xF800  }
0xa3: {  	[sflag:s4] =	ssyncset.done $0x0  }
0xa4: {  	s8 =	rddreg [dreg:$0x5];
	[sflag:s4] =	ssyncadd.s32 $0xFFFF0800  }
0xa5: {  	[hbm4b:s8+s2] =	stream.linear.scatter [tilespmem:s2], [sflag:$0x3], $0xF800, $0x38;
	[tilespmem:$0x1F000] =	vst v63  }
0xa6: {  	_ =	swait.ge [sflag:s5], $0xF800  }
0xa7: {  	[sflag:s5] =	ssyncset.done $0x0  }
0xa8: {  	s8 =	rddreg [dreg:$0x6];
	[sflag:s5] =	ssyncadd.s32 $0xFFFF0800  }
0xa9: {  	[tilespmem:s2], [sflag:$0x1] =	stream.linear.gather [hbm4b:s8+s2], $0xF800, $0x38;
	[tilespmem:$0x1F000] =	vst v63  }
0xaa: {  	_ =	swait.ge [sflag:s6], $0xF800  }
0xab: {  	[sflag:s6] =	ssyncset.done $0x0  }
0xac: {  	s8 =	rddreg [dreg:$0x7];
	[sflag:s6] =	ssyncadd.s32 $0xFFFF0800  }
0xad: {  	[hbm4b:s8+s2] =	stream.linear.scatter [tilespmem:s3], [sflag:$0x4], $0xF800, $0x38;
	[tilespmem:$0x1F000] =	vst v63  }
0xae: {  	_ =	swait.ge [sflag:s7], $0xF800  }
0xaf: {  	[sflag:s7] =	ssyncset.done $0x0  }
0xb0: {  	s8 =	rddreg [dreg:$0x8];
	[sflag:s7] =	ssyncadd.s32 $0xFFFF0800  }
0xb1: {  	[tilespmem:s3], [sflag:$0x2] =	stream.linear.gather [hbm4b:s8+s2], $0xF800, $0x38;
	[tilespmem:$0x1F000] =	vst v63  }
0xb2: {  	_ =	swait.ge [sflag:s4], $0xF800  }
0xb3: {  	[sflag:s4] =	ssyncset.done $0x0  }
0xb4: {  	s8 =	rddreg [dreg:$0x9];
	[sflag:s4] =	ssyncadd.s32 $0xFFFF0800  }
0xb5: {  	[hbm4b:s8+s2] =	stream.linear.scatter [tilespmem:s2], [sflag:$0x3], $0xF800, $0x38;
	[tilespmem:$0x1F000] =	vst v63  }
0xb6: {  	_ =	swait.ge [sflag:s5], $0xF800  }
0xb7: {  	[sflag:s5] =	ssyncset.done $0x0  }
0xb8: {  	s8 =	rddreg [dreg:$0xa];
	[sflag:s5] =	ssyncadd.s32 $0xFFFF0800  }
0xb9: {  	[tilespmem:s2], [sflag:$0x1] =	stream.linear.gather [hbm4b:s8+s2], $0xF800, $0x38;
	[tilespmem:$0x1F000] =	vst v63  }
0xba: {  	_ =	swait.ge [sflag:s6], $0xF800  }
0xbb: {  	[sflag:s6] =	ssyncset.done $0x0  }
0xbc: {  	s8 =	rddreg [dreg:$0xb];
	[sflag:s6] =	ssyncadd.s32 $0xFFFF0800  }
0xbd: {  	[hbm4b:s8+s2] =	stream.linear.scatter [tilespmem:s3], [sflag:$0x4], $0xF800, $0x38;
	[tilespmem:$0x1F000] =	vst v63  }
0xbe: {  	_ =	swait.ge [sflag:s7], $0xF800  }
0xbf: {  	[sflag:s7] =	ssyncset.done $0x0  }
0xc0: {  	s8 =	rddreg [dreg:$0xc];
	[sflag:s7] =	ssyncadd.s32 $0xFFFF0800  }
0xc1: {  	[tilespmem:s3], [sflag:$0x2] =	stream.linear.gather [hbm4b:s8+s2], $0xF800, $0x38;
	[tilespmem:$0x1F000] =	vst v63  }
0xc2: {  	_ =	swait.ge [sflag:s4], $0xF800  }
0xc3: {  	[sflag:s4] =	ssyncset.done $0x0  }
0xc4: {  	s8 =	rddreg [dreg:$0xd];
	[sflag:s4] =	ssyncadd.s32 $0xFFFF0800  }
0xc5: {  	[hbm4b:s8+s2] =	stream.linear.scatter [tilespmem:s2], [sflag:$0x3], $0xF800, $0x38;
	[tilespmem:$0x1F000] =	vst v63  }
0xc6: {  	_ =	swait.ge [sflag:s5], $0xF800  }
0xc7: {  	[sflag:s5] =	ssyncset.done $0x0  }
0xc8: {  	s8 =	rddreg [dreg:$0xe];
	[sflag:s5] =	ssyncadd.s32 $0xFFFF0800  }
0xc9: {  	[tilespmem:s2], [sflag:$0x1] =	stream.linear.gather [hbm4b:s8+s2], $0xF800, $0x38;
	[tilespmem:$0x1F000] =	vst v63  }
0xca: {  	_ =	swait.ge [sflag:s6], $0xF800  }
0xcb: {  	[sflag:s6] =	ssyncset.done $0x0  }
0xcc: {  	[sflag:s6] =	ssyncadd.s32 $0xFFFF0800  }
0xcd: {  	[hbm4b:s9+s2] =	stream.linear.scatter [tilespmem:s3], [sflag:$0x4], $0xF800, $0x38;
	[tilespmem:$0x1F000] =	vst v63  }
0xce: {  	_ =	swait.ge [sflag:s7], $0xF800  }
0xcf: {  	[sflag:s7] =	ssyncset.done $0x0  }
0xd0: {  	[sflag:s7] =	ssyncadd.s32 $0xFFFF0800  }
0xd1: {  	[tilespmem:s3], [sflag:$0x2] =	stream.linear.gather [hbm4b:s10+s2], $0xF800, $0x38;
	[tilespmem:$0x1F000] =	vst v63  }
0xd2: {  	_ =	swait.ge [sflag:s4], $0xF800  }
0xd3: {  	[sflag:s4] =	ssyncset.done $0x0  }
0xd4: {  	[sflag:s4] =	ssyncadd.s32 $0xFFFF0800  }
0xd5: {  	[hbm4b:s11+s2] =	stream.linear.scatter [tilespmem:s2], [sflag:$0x3], $0xF800, $0x38;
	[tilespmem:$0x1F000] =	vst v63  }
0xd6: {  	_ =	swait.ge [sflag:s5], $0xF800  }
0xd7: {  	[sflag:s5] =	ssyncset.done $0x0  }
0xd8: {  	[sflag:s5] =	ssyncadd.s32 $0xFFFF0800  }
0xd9: {  	[tilespmem:s2], [sflag:$0x1] =	stream.linear.gather [hbm4b:s12+s2], $0xF800, $0x38;
	[tilespmem:$0x1F000] =	vst v63  }
0xda: {  	_ =	swait.ge [sflag:s6], $0xF800  }
0xdb: {  	[sflag:s6] =	ssyncset.done $0x0  }
0xdc: {  	[sflag:s6] =	ssyncadd.s32 $0xFFFF0800  }
0xdd: {  	[hbm4b:s13+s2] =	stream.linear.scatter [tilespmem:s3], [sflag:$0x4], $0xF800, $0x38;
	[tilespmem:$0x1F000] =	vst v63  }
0xde: {  	_ =	swait.ge [sflag:s7], $0xF800  }
0xdf: {  	[sflag:s7] =	ssyncset.done $0x0  }
0xe0: {  	[sflag:s7] =	ssyncadd.s32 $0xFFFF0800  }
0xe1: {  	[tilespmem:s3], [sflag:$0x2] =	stream.linear.gather [hbm4b:s14+s2], $0xF800, $0x38;
	[tilespmem:$0x1F000] =	vst v63  }
0xe2: {  	_ =	swait.ge [sflag:s4], $0xF800  }
0xe3: {  	[sflag:s4] =	ssyncset.done $0x0  }
0xe4: {  	[sflag:s4] =	ssyncadd.s32 $0xFFFF0800  }
0xe5: {  	[hbm4b:s15+s2] =	stream.linear.scatter [tilespmem:s2], [sflag:$0x3], $0xF800, $0x38;
	[tilespmem:$0x1F000] =	vst v63  }
0xe6: {  	_ =	swait.ge [sflag:s5], $0xF800  }
0xe7: {  	[sflag:s5] =	ssyncset.done $0x0  }
0xe8: {  	[sflag:s5] =	ssyncadd.s32 $0xFFFF0800  }
0xe9: {  	[tilespmem:s2], [sflag:$0x1] =	stream.linear.gather [hbm4b:s16+s2], $0xF800, $0x38;
	[tilespmem:$0x1F000] =	vst v63  }
0xea: {  	_ =	swait.ge [sflag:s6], $0xF800  }
0xeb: {  	[sflag:s6] =	ssyncset.done $0x0  }
0xec: {  	[sflag:s6] =	ssyncadd.s32 $0xFFFF0800  }
0xed: {  	[hbm4b:s17+s2] =	stream.linear.scatter [tilespmem:s3], [sflag:$0x4], $0xF800, $0x38;
	[tilespmem:$0x1F000] =	vst v63  }
0xee: {  	_ =	swait.ge [sflag:s7], $0xF800  }
0xef: {  	[sflag:s7] =	ssyncset.done $0x0  }
0xf0: {  	[sflag:s7] =	ssyncadd.s32 $0xFFFF0800  }
0xf1: {  	[tilespmem:s3], [sflag:$0x2] =	stream.linear.gather [hbm4b:s18+s2], $0xF800, $0x38;
	[tilespmem:$0x1F000] =	vst v63  }
0xf2: {  	_ =	swait.ge [sflag:s4], $0xF800  }
0xf3: {  	[sflag:s4] =	ssyncset.done $0x0  }
0xf4: {  	[sflag:s4] =	ssyncadd.s32 $0xFFFF0800  }
0xf5: {  	[hbm4b:s19+s2] =	stream.linear.scatter [tilespmem:s2], [sflag:$0x3], $0xF800, $0x38;
	[tilespmem:$0x1F000] =	vst v63  }
0xf6: {  	_ =	swait.ge [sflag:s5], $0xF800  }
0xf7: {  	[sflag:s5] =	ssyncset.done $0x0  }
0xf8: {  	[sflag:s5] =	ssyncadd.s32 $0xFFFF0800  }
0xf9: {  	[tilespmem:s2], [sflag:$0x1] =	stream.linear.gather [hbm4b:s20+s2], $0xF800, $0x38;
	[tilespmem:$0x1F000] =	vst v63  }
0xfa: {  	_ =	swait.ge [sflag:s6], $0xF800  }
0xfb: {  	[sflag:s6] =	ssyncset.done $0x0  }
0xfc: {  	[sflag:s6] =	ssyncadd.s32 $0xFFFF0800  }
0xfd: {  	[hbm4b:s21+s2] =	stream.linear.scatter [tilespmem:s3], [sflag:$0x4], $0xF800, $0x38;
	[tilespmem:$0x1F000] =	vst v63  }
0xfe: {  	_ =	swait.ge [sflag:s7], $0xF800  }
0xff: {  	[sflag:s7] =	ssyncset.done $0x0  }
0x100: {  	[sflag:s7] =	ssyncadd.s32 $0xFFFF0800  }
0x101: {  	[tilespmem:s3], [sflag:$0x2] =	stream.linear.gather [hbm4b:s22+s2], $0xF800, $0x38;
	[tilespmem:$0x1F000] =	vst v63  }
0x102: {  	_ =	swait.ge [sflag:s4], $0xF800  }
0x103: {  	[sflag:s4] =	ssyncset.done $0x0  }
0x104: {  	[sflag:s4] =	ssyncadd.s32 $0xFFFF0800  }
0x105: {  	[hbm4b:s23+s2] =	stream.linear.scatter [tilespmem:s2], [sflag:$0x3], $0xF800, $0x38;
	[tilespmem:$0x1F000] =	vst v63  }
0x106: {  	_ =	swait.ge [sflag:s5], $0xF800  }
0x107: {  	[sflag:s5] =	ssyncset.done $0x0  }
0x108: {  	[sflag:s5] =	ssyncadd.s32 $0xFFFF0800  }
0x109: {  	[tilespmem:s2], [sflag:$0x1] =	stream.linear.gather [hbm4b:s24+s2], $0xF800, $0x38;
	[tilespmem:$0x1F000] =	vst v63  }
0x10a: {  	_ =	swait.ge [sflag:s6], $0xF800  }
0x10b: {  	[sflag:s6] =	ssyncset.done $0x0  }
0x10c: {  	[sflag:s6] =	ssyncadd.s32 $0xFFFF0800  }
0x10d: {  	[hbm4b:s25+s2] =	stream.linear.scatter [tilespmem:s3], [sflag:$0x4], $0xF800, $0x38;
	[tilespmem:$0x1F000] =	vst v63  }
0x10e: {  	_ =	swait.ge [sflag:s7], $0xF800  }
0x10f: {  	[sflag:s7] =	ssyncset.done $0x0  }
0x110: {  	[sflag:s7] =	ssyncadd.s32 $0xFFFF0800  }
0x111: {  	[tilespmem:s3], [sflag:$0x2] =	stream.linear.gather [hbm4b:s26+s2], $0xF800, $0x38;
	[tilespmem:$0x1F000] =	vst v63  }
0x112: {  	_ =	swait.ge [sflag:s4], $0xF800  }
0x113: {  	[sflag:s4] =	ssyncset.done $0x0  }
0x114: {  	[sflag:s4] =	ssyncadd.s32 $0xFFFF0800  }
0x115: {  	[hbm4b:s28+s2] =	stream.linear.scatter [tilespmem:s2], [sflag:$0x3], $0xF800, $0x38;
	[tilespmem:$0x1F000] =	vst v63  }
0x116: {  	_ =	swait.ge [sflag:s5], $0xF800  }
0x117: {  	[sflag:s5] =	ssyncset.done $0x0  }
0x118: {  	[sflag:s5] =	ssyncadd.s32 $0xFFFF0800  }
0x119: {  	[tilespmem:s2], [sflag:$0x1] =	stream.linear.gather [hbm4b:s29+s2], $0x8000, $0x38;
	[tilespmem:$0x1F000] =	vst v63  }
0x11a: {  	_ =	swait.ge [sflag:s6], $0xF800  }
0x11b: {  	[sflag:s6] =	ssyncset.done $0x0  }
0x11c: {  	[sflag:s6] =	ssyncadd.s32 $0xFFFF0800  }
0x11d: {  	[hbm4b:s30+s2] =	stream.linear.scatter [tilespmem:s3], [sflag:$0x4], $0xF800, $0x38;
	[tilespmem:$0x1F000] =	vst v63  }
0x11e: {  	_ =	swait.ge [sflag:s4], $0x8000  }
0x11f: {  	[sflag:s4] =	ssyncset.done $0x0  }
0x120: {  	p0 =	sne.s32 s0, $0x1;
	[sflag:s4] =	ssyncadd.s32 $0xFFFF8000  }
0x121: {  	[hbm4b:s31+s2] =	stream.linear.scatter [tilespmem:s2], [sflag:$0x3], $0x8000, $0x38;
	[tilespmem:$0x1F000] =	vst v63  }
.Ltmp1:
0x122: {  	_ =	swait.ge [sflag:s7], $0xF800;
	(pc) =	sbr.rel @p0 .LBB2_1-.Ltmp1, $4  }
0x123: {  	[sflag:s7] =	ssyncset.done $0x0  }
0x124: {  	[sflag:s7] =	ssyncadd.s32 $0xFFFF0800  }
0x125: {  	_ =	swait.ge [sflag:s5], $0x8000  }
0x126: {  	s0 =	sadd.s32 $0xFFFFFFFF, s0;
	[sflag:s5] =	ssyncset.done $0x0  }
.LBB2_2:
0x127: {  	[sflag:s5] =	ssyncadd.s32 $0xFFFF8000  }
0x128: {  	_ =	sfence.sel $0x180000  }
0x129: {  	[bflag:$0x0] =	sbarrier.arrive $0xFFFF  }
0x12a: {  	_ =	strace $0x90000047  }
0x12b: {  	s0 =	stileid.u32;
	[bflag:$0x2] =	sbarrier.arrive $0xFFFF  }
0x12c: {  	p0 =	sne.s32 s0, $0x0;
	s0 =	rddreg [dreg:$0x2]  }
0x12d: {  	s0 =	sadd.s32 @!p0 $0x100000, s0  }
0x12e: {  	[sflag:s0] =	ssyncadd.tile.s32 @!p0 $0x1;
	_ =	shalt  }
.Lfunc_end2:
_tile_overlayer_lowered:
.L_overlay_start_2:
0x12f: {  	(tag) =	ssettag $0x2  }
0x130: {  	s0 =	rddreg [dreg:$0x0];
	s2 =	stileid.u32  }
0x131: {  	s1 =	rddreg [dreg:$0x1];
	p0 =	sne.s32 s2, $0x0  }
0x132: {  	s3 =	rddreg [dreg:$0x2];
	[bflag:$0x3] =	sbarrier.arrive $0xFFFF;
	s2 =	simm.s32 @!p0 $0x1C05  }
0x133: {  	[timem:s3], [sflag:s2] =	dma.local @!p0 [hbm:s0], s1  }
0x134: {  	s0 =	simm.s32 @!p0 $0x5  }
0x135: {  	_ =	swait.ge @!p0 [sflag:s0], s1  }
0x136: {  	s1 =	ssub.s32 @!p0 $0x0, s1;
	[sflag:s0] =	ssyncset.done @!p0 $0x0  }
0x137: {  	[sflag:s0] =	ssyncadd.s32 @!p0 s1  }
0x138: {  	[bflag:$0x3] =	sbarrier.arrive $0xFFFF  }
0x139: {  	_ =	shalt  }

</sc_bundles>
